<compile_context>
chip_gen: v7x
topology: tpu7x:2x2x1
jax: 0.10.2.dev20260603
libtpu: 0.0.44.dev20260713+nightly
codegen_flags: <defaults>
</compile_context>

<pallas_src>
import jax
import jax.numpy as jnp
from jax import lax
from jax.experimental import pallas as pl
from jax.experimental.pallas import tpu as pltpu
from jax.experimental.pallas import tpu_sc as plsc

B = 4
T = 2048
D = 128
NC = 2
NS = 16
NW = NC * NS
PPW = T // NW
LANES = 16


def _emb_body(x_hbm, tok_hbm, pos_hbm, out_hbm, idx_v, tok_v, pos_v, gsem, psem, osem, isem):
    wid = lax.axis_index("s") * NC + lax.axis_index("c")
    off = wid * PPW

    pcp = pltpu.async_copy(pos_hbm.at[pl.ds(off, PPW)], pos_v, psem)
    icps = [
        pltpu.async_copy(x_hbm.at[b, pl.ds(off, PPW)], idx_v.at[b], isem)
        for b in range(B)
    ]
    gcps = []
    for b in range(B):
        icps[b].wait()
        gcps.append(pltpu.async_copy(tok_hbm.at[idx_v.at[b]], tok_v.at[b], gsem))
    pcp.wait()

    ocps = []
    for b in range(B):
        gcps[b].wait()

        @plsc.parallel_loop(0, PPW, 1, unroll=1)
        def row_add(r):
            for c in range(D // LANES):
                sl = pl.ds(c * LANES, LANES)
                plsc.addupdate(tok_v.at[b, r, sl], pos_v[r, sl])

        ocps.append(
            pltpu.async_copy(tok_v.at[b], out_hbm.at[b, pl.ds(off, PPW), :], osem)
        )
    for cp in ocps:
        cp.wait()


@jax.jit
def kernel(x, tok_table, pos_table):
    run = pl.kernel(
        _emb_body,
        out_type=jax.ShapeDtypeStruct((B, T, D), jnp.float32),
        mesh=plsc.VectorSubcoreMesh(core_axis_name="c", subcore_axis_name="s"),
        scratch_types=[
            pltpu.VMEM((B, PPW), jnp.int32),
            pltpu.VMEM((B, PPW, D), jnp.float32),
            pltpu.VMEM((PPW, D), jnp.float32),
            pltpu.SemaphoreType.DMA,
            pltpu.SemaphoreType.DMA,
            pltpu.SemaphoreType.DMA,
            pltpu.SemaphoreType.DMA,
        ],
    )
    return run(x.astype(jnp.int32), tok_table, pos_table)

# --- scband reference (transcript-rebuilt; emitter-appended) ---
"""Pipeline reference for scband-embedding-wrapper-75453985456741 (READ-ONLY COPY).

The authoritative reference and input builder live on the scoring server;
editing this copy changes nothing except your own understanding.
"""

import jax, jax.numpy as jnp
import numpy as np

VOCAB = 100000
BLOCK = 2048
DIM = 128

def setup_inputs(seed: int = 0) -> dict:
    key = jax.random.key(seed)
    k1, k2, k3 = jax.random.split(key, 3)
    x = jax.random.randint(k1, (4, 2048), 0, VOCAB, dtype=jnp.int64 if jax.config.jax_enable_x64 else jnp.int32)
    tok_table = jax.random.normal(k2, (VOCAB, DIM), dtype=jnp.float32)
    pos_table = jax.random.normal(k3, (BLOCK, DIM), dtype=jnp.float32)
    return {"x": x, "tok_table": tok_table, "pos_table": pos_table}

def reference(x, tok_table, pos_table):
    B, T = x.shape
    tok_emb = jnp.take(tok_table, x, axis=0)                 # (B, T, D) gather
    positions = jnp.arange(T)
    pos_emb = jnp.take(pos_table, positions, axis=0)          # (T, D) gather
    return tok_emb + pos_emb[None, :, :]

if __name__ == "__main__":
    import jax
    _d = setup_inputs()
    print(jax.jit(kernel)(*tuple(_d.values())))

</pallas_src>

<mosaic_0001>
#map = affine_map<(d0, d1) -> (0, 0)>
#map1 = affine_map<(d0, d1) -> (0, 0, 0)>
module attributes {stable_mosaic.version = 14 : i64} {
  func.func @_emb_body(%arg0: i32, %arg1: i32, %arg2: memref<4x2048xi32, #tpu.memory_space<hbm>>, %arg3: memref<100000x128xf32, #tpu.memory_space<hbm>>, %arg4: memref<2048x128xf32, #tpu.memory_space<hbm>>, %arg5: memref<4x2048x128xf32, #tpu.memory_space<hbm>>, %arg6: memref<4x64xi32, #tpu.memory_space<vmem>>, %arg7: memref<4x64x128xf32, #tpu.memory_space<vmem>>, %arg8: memref<64x128xf32, #tpu.memory_space<vmem>>, %arg9: memref<!tpu.dma_semaphore, #tpu.memory_space<semaphore_mem>>, %arg10: memref<!tpu.dma_semaphore, #tpu.memory_space<semaphore_mem>>, %arg11: memref<!tpu.dma_semaphore, #tpu.memory_space<semaphore_mem>>, %arg12: memref<!tpu.dma_semaphore, #tpu.memory_space<semaphore_mem>>) attributes {dimension_semantics = [#tpu.dimension_semantics<core_parallel>, #tpu.dimension_semantics<subcore_parallel>], iteration_bounds = array<i64: 2, 16>, scalar_prefetch = 0 : i64, scratch_operands = 7 : i64, tpu.core_type = #tpu.core_type<sc_vector_subcore>, window_params = [{transform_indices = #map}, {transform_indices = #map}, {transform_indices = #map}, {transform_indices = #map1}]} {
    %mul3A = arith.constant 2 : i32
    %mul3A_0 = arith.muli %arg1, %mul3A : i32
    %add3A = arith.addi %mul3A_0, %arg0 : i32
    %mul3A_1 = arith.constant 64 : i32
    %mul3A_2 = arith.muli %add3A, %mul3A_1 : i32
    %dma_start3A = arith.constant 0 : i32
    %dma_start3A_3 = tpu.memref_slice %arg4[%mul3A_2, %dma_start3A] : memref<2048x128xf32, #tpu.memory_space<hbm>> -> memref<64x128xf32, #tpu.memory_space<hbm>>
    %dma_start3A_4 = arith.constant 0 : i32
    %dma_start3A_5 = tpu.memref_slice %arg4[%mul3A_2, %dma_start3A_4] : memref<2048x128xf32, #tpu.memory_space<hbm>> -> memref<64x128xf32, #tpu.memory_space<hbm>>
    tpu.enqueue_dma source(%dma_start3A_5 : memref<64x128xf32, #tpu.memory_space<hbm>>) target(%arg8 : memref<64x128xf32, #tpu.memory_space<vmem>>) target_semaphore(%arg10 : memref<!tpu.dma_semaphore, #tpu.memory_space<semaphore_mem>>)
    %dma_start3A_6 = arith.constant 0 : i32
    %dma_start3A_7 = arith.constant 0 : i32
    %dma_start3A_8 = arith.constant 0 : i32
    %dma_start3A_9 = tpu.memref_slice %arg6[%dma_start3A_7, %dma_start3A_8] : memref<4x64xi32, #tpu.memory_space<vmem>> -> memref<1x64xi32, #tpu.memory_space<vmem>>
    %dma_start3A_10 = tpu.memref_squeeze %dma_start3A_9 : memref<1x64xi32, #tpu.memory_space<vmem>> -> memref<64xi32, #tpu.memory_space<vmem>>
    %dma_start3A_11 = tpu.memref_slice %arg2[%dma_start3A_6, %mul3A_2] : memref<4x2048xi32, #tpu.memory_space<hbm>> -> memref<1x64xi32, #tpu.memory_space<hbm>>
    %dma_start3A_12 = tpu.memref_squeeze %dma_start3A_11 : memref<1x64xi32, #tpu.memory_space<hbm>> -> memref<64xi32, #tpu.memory_space<hbm>>
    %dma_start3A_13 = arith.constant 0 : i32
    %dma_start3A_14 = tpu.memref_slice %arg6[%dma_start3A_7, %dma_start3A_13] : memref<4x64xi32, #tpu.memory_space<vmem>> -> memref<1x64xi32, #tpu.memory_space<vmem>>
    %dma_start3A_15 = tpu.memref_squeeze %dma_start3A_14 : memref<1x64xi32, #tpu.memory_space<vmem>> -> memref<64xi32, #tpu.memory_space<vmem>>
    %dma_start3A_16 = tpu.memref_slice %arg2[%dma_start3A_6, %mul3A_2] : memref<4x2048xi32, #tpu.memory_space<hbm>> -> memref<1x64xi32, #tpu.memory_space<hbm>>
    %dma_start3A_17 = tpu.memref_squeeze %dma_start3A_16 : memref<1x64xi32, #tpu.memory_space<hbm>> -> memref<64xi32, #tpu.memory_space<hbm>>
    tpu.enqueue_dma source(%dma_start3A_17 : memref<64xi32, #tpu.memory_space<hbm>>) target(%dma_start3A_15 : memref<64xi32, #tpu.memory_space<vmem>>) target_semaphore(%arg12 : memref<!tpu.dma_semaphore, #tpu.memory_space<semaphore_mem>>)
    %dma_start3A_18 = arith.constant 1 : i32
    %dma_start3A_19 = arith.constant 1 : i32
    %dma_start3A_20 = arith.constant 0 : i32
    %dma_start3A_21 = tpu.memref_slice %arg6[%dma_start3A_19, %dma_start3A_20] : memref<4x64xi32, #tpu.memory_space<vmem>> -> memref<1x64xi32, #tpu.memory_space<vmem>>
    %dma_start3A_22 = tpu.memref_squeeze %dma_start3A_21 : memref<1x64xi32, #tpu.memory_space<vmem>> -> memref<64xi32, #tpu.memory_space<vmem>>
    %dma_start3A_23 = tpu.memref_slice %arg2[%dma_start3A_18, %mul3A_2] : memref<4x2048xi32, #tpu.memory_space<hbm>> -> memref<1x64xi32, #tpu.memory_space<hbm>>
    %dma_start3A_24 = tpu.memref_squeeze %dma_start3A_23 : memref<1x64xi32, #tpu.memory_space<hbm>> -> memref<64xi32, #tpu.memory_space<hbm>>
    %dma_start3A_25 = arith.constant 0 : i32
    %dma_start3A_26 = tpu.memref_slice %arg6[%dma_start3A_19, %dma_start3A_25] : memref<4x64xi32, #tpu.memory_space<vmem>> -> memref<1x64xi32, #tpu.memory_space<vmem>>
    %dma_start3A_27 = tpu.memref_squeeze %dma_start3A_26 : memref<1x64xi32, #tpu.memory_space<vmem>> -> memref<64xi32, #tpu.memory_space<vmem>>
    %dma_start3A_28 = tpu.memref_slice %arg2[%dma_start3A_18, %mul3A_2] : memref<4x2048xi32, #tpu.memory_space<hbm>> -> memref<1x64xi32, #tpu.memory_space<hbm>>
    %dma_start3A_29 = tpu.memref_squeeze %dma_start3A_28 : memref<1x64xi32, #tpu.memory_space<hbm>> -> memref<64xi32, #tpu.memory_space<hbm>>
    tpu.enqueue_dma source(%dma_start3A_29 : memref<64xi32, #tpu.memory_space<hbm>>) target(%dma_start3A_27 : memref<64xi32, #tpu.memory_space<vmem>>) target_semaphore(%arg12 : memref<!tpu.dma_semaphore, #tpu.memory_space<semaphore_mem>>)
    %dma_start3A_30 = arith.constant 2 : i32
    %dma_start3A_31 = arith.constant 2 : i32
    %dma_start3A_32 = arith.constant 0 : i32
    %dma_start3A_33 = tpu.memref_slice %arg6[%dma_start3A_31, %dma_start3A_32] : memref<4x64xi32, #tpu.memory_space<vmem>> -> memref<1x64xi32, #tpu.memory_space<vmem>>
    %dma_start3A_34 = tpu.memref_squeeze %dma_start3A_33 : memref<1x64xi32, #tpu.memory_space<vmem>> -> memref<64xi32, #tpu.memory_space<vmem>>
    %dma_start3A_35 = tpu.memref_slice %arg2[%dma_start3A_30, %mul3A_2] : memref<4x2048xi32, #tpu.memory_space<hbm>> -> memref<1x64xi32, #tpu.memory_space<hbm>>
    %dma_start3A_36 = tpu.memref_squeeze %dma_start3A_35 : memref<1x64xi32, #tpu.memory_space<hbm>> -> memref<64xi32, #tpu.memory_space<hbm>>
    %dma_start3A_37 = arith.constant 0 : i32
    %dma_start3A_38 = tpu.memref_slice %arg6[%dma_start3A_31, %dma_start3A_37] : memref<4x64xi32, #tpu.memory_space<vmem>> -> memref<1x64xi32, #tpu.memory_space<vmem>>
    %dma_start3A_39 = tpu.memref_squeeze %dma_start3A_38 : memref<1x64xi32, #tpu.memory_space<vmem>> -> memref<64xi32, #tpu.memory_space<vmem>>
    %dma_start3A_40 = tpu.memref_slice %arg2[%dma_start3A_30, %mul3A_2] : memref<4x2048xi32, #tpu.memory_space<hbm>> -> memref<1x64xi32, #tpu.memory_space<hbm>>
    %dma_start3A_41 = tpu.memref_squeeze %dma_start3A_40 : memref<1x64xi32, #tpu.memory_space<hbm>> -> memref<64xi32, #tpu.memory_space<hbm>>
    tpu.enqueue_dma source(%dma_start3A_41 : memref<64xi32, #tpu.memory_space<hbm>>) target(%dma_start3A_39 : memref<64xi32, #tpu.memory_space<vmem>>) target_semaphore(%arg12 : memref<!tpu.dma_semaphore, #tpu.memory_space<semaphore_mem>>)
    %dma_start3A_42 = arith.constant 3 : i32
    %dma_start3A_43 = arith.constant 3 : i32
    %dma_start3A_44 = arith.constant 0 : i32
    %dma_start3A_45 = tpu.memref_slice %arg6[%dma_start3A_43, %dma_start3A_44] : memref<4x64xi32, #tpu.memory_space<vmem>> -> memref<1x64xi32, #tpu.memory_space<vmem>>
    %dma_start3A_46 = tpu.memref_squeeze %dma_start3A_45 : memref<1x64xi32, #tpu.memory_space<vmem>> -> memref<64xi32, #tpu.memory_space<vmem>>
    %dma_start3A_47 = tpu.memref_slice %arg2[%dma_start3A_42, %mul3A_2] : memref<4x2048xi32, #tpu.memory_space<hbm>> -> memref<1x64xi32, #tpu.memory_space<hbm>>
    %dma_start3A_48 = tpu.memref_squeeze %dma_start3A_47 : memref<1x64xi32, #tpu.memory_space<hbm>> -> memref<64xi32, #tpu.memory_space<hbm>>
    %dma_start3A_49 = arith.constant 0 : i32
    %dma_start3A_50 = tpu.memref_slice %arg6[%dma_start3A_43, %dma_start3A_49] : memref<4x64xi32, #tpu.memory_space<vmem>> -> memref<1x64xi32, #tpu.memory_space<vmem>>
    %dma_start3A_51 = tpu.memref_squeeze %dma_start3A_50 : memref<1x64xi32, #tpu.memory_space<vmem>> -> memref<64xi32, #tpu.memory_space<vmem>>
    %dma_start3A_52 = tpu.memref_slice %arg2[%dma_start3A_42, %mul3A_2] : memref<4x2048xi32, #tpu.memory_space<hbm>> -> memref<1x64xi32, #tpu.memory_space<hbm>>
    %dma_start3A_53 = tpu.memref_squeeze %dma_start3A_52 : memref<1x64xi32, #tpu.memory_space<hbm>> -> memref<64xi32, #tpu.memory_space<hbm>>
    tpu.enqueue_dma source(%dma_start3A_53 : memref<64xi32, #tpu.memory_space<hbm>>) target(%dma_start3A_51 : memref<64xi32, #tpu.memory_space<vmem>>) target_semaphore(%arg12 : memref<!tpu.dma_semaphore, #tpu.memory_space<semaphore_mem>>)
    %dma_wait3A = arith.constant 0 : i32
    %dma_wait3A_54 = arith.constant 0 : i32
    %dma_wait3A_55 = arith.constant 0 : i32
    %dma_wait3A_56 = tpu.memref_slice %arg6[%dma_wait3A_54, %dma_wait3A_55] : memref<4x64xi32, #tpu.memory_space<vmem>> -> memref<1x64xi32, #tpu.memory_space<vmem>>
    %dma_wait3A_57 = tpu.memref_squeeze %dma_wait3A_56 : memref<1x64xi32, #tpu.memory_space<vmem>> -> memref<64xi32, #tpu.memory_space<vmem>>
    %dma_wait3A_58 = tpu.memref_slice %arg2[%dma_wait3A, %mul3A_2] : memref<4x2048xi32, #tpu.memory_space<hbm>> -> memref<1x64xi32, #tpu.memory_space<hbm>>
    %dma_wait3A_59 = tpu.memref_squeeze %dma_wait3A_58 : memref<1x64xi32, #tpu.memory_space<hbm>> -> memref<64xi32, #tpu.memory_space<hbm>>
    %dma_wait3A_60 = arith.constant 0 : i32
    %dma_wait3A_61 = tpu.memref_slice %arg6[%dma_wait3A_54, %dma_wait3A_60] : memref<4x64xi32, #tpu.memory_space<vmem>> -> memref<1x64xi32, #tpu.memory_space<vmem>>
    %dma_wait3A_62 = tpu.memref_squeeze %dma_wait3A_61 : memref<1x64xi32, #tpu.memory_space<vmem>> -> memref<64xi32, #tpu.memory_space<vmem>>
    %dma_wait3A_63 = tpu.memref_slice %arg2[%dma_wait3A, %mul3A_2] : memref<4x2048xi32, #tpu.memory_space<hbm>> -> memref<1x64xi32, #tpu.memory_space<hbm>>
    %dma_wait3A_64 = tpu.memref_squeeze %dma_wait3A_63 : memref<1x64xi32, #tpu.memory_space<hbm>> -> memref<64xi32, #tpu.memory_space<hbm>>
    tpu.wait_dma2 semaphore(%arg12 : memref<!tpu.dma_semaphore, #tpu.memory_space<semaphore_mem>>) src(%dma_wait3A_64 : memref<64xi32, #tpu.memory_space<hbm>>) dst(%dma_wait3A_62 : memref<64xi32, #tpu.memory_space<vmem>>)
    %dma_start3A_65 = arith.constant 0 : i32
    %dma_start3A_66 = arith.constant 0 : i32
    %dma_start3A_67 = arith.constant 0 : i32
    %dma_start3A_68 = arith.constant 0 : i32
    %dma_start3A_69 = tpu.memref_slice %arg7[%dma_start3A_66, %dma_start3A_67, %dma_start3A_68] : memref<4x64x128xf32, #tpu.memory_space<vmem>> -> memref<1x64x128xf32, #tpu.memory_space<vmem>>
    %dma_start3A_70 = tpu.memref_squeeze %dma_start3A_69 : memref<1x64x128xf32, #tpu.memory_space<vmem>> -> memref<64x128xf32, #tpu.memory_space<vmem>>
    %dma_start3A_71 = arith.constant 0 : i32
    %dma_start3A_72 = tpu.memref_slice %arg6[%dma_start3A_65, %dma_start3A_71] : memref<4x64xi32, #tpu.memory_space<vmem>> -> memref<1x64xi32, #tpu.memory_space<vmem>>
    %dma_start3A_73 = tpu.memref_squeeze %dma_start3A_72 : memref<1x64xi32, #tpu.memory_space<vmem>> -> memref<64xi32, #tpu.memory_space<vmem>>
    %dma_start3A_74 = arith.constant 0 : i32
    %dma_start3A_75 = arith.constant 0 : i32
    %dma_start3A_76 = tpu.memref_slice %arg3[%dma_start3A_74, %dma_start3A_75] : memref<100000x128xf32, #tpu.memory_space<hbm>> -> memref<100000x128xf32, #tpu.memory_space<hbm>>
    tpu.enqueue_indirect_dma source(%dma_start3A_76 : memref<100000x128xf32, #tpu.memory_space<hbm>>) target(%dma_start3A_70 : memref<64x128xf32, #tpu.memory_space<vmem>>) offsets(%dma_start3A_73 : memref<64xi32, #tpu.memory_space<vmem>>) semaphore(%arg9 : memref<!tpu.dma_semaphore, #tpu.memory_space<semaphore_mem>>)
    %dma_wait3A_77 = arith.constant 1 : i32
    %dma_wait3A_78 = arith.constant 1 : i32
    %dma_wait3A_79 = arith.constant 0 : i32
    %dma_wait3A_80 = tpu.memref_slice %arg6[%dma_wait3A_78, %dma_wait3A_79] : memref<4x64xi32, #tpu.memory_space<vmem>> -> memref<1x64xi32, #tpu.memory_space<vmem>>
    %dma_wait3A_81 = tpu.memref_squeeze %dma_wait3A_80 : memref<1x64xi32, #tpu.memory_space<vmem>> -> memref<64xi32, #tpu.memory_space<vmem>>
    %dma_wait3A_82 = tpu.memref_slice %arg2[%dma_wait3A_77, %mul3A_2] : memref<4x2048xi32, #tpu.memory_space<hbm>> -> memref<1x64xi32, #tpu.memory_space<hbm>>
    %dma_wait3A_83 = tpu.memref_squeeze %dma_wait3A_82 : memref<1x64xi32, #tpu.memory_space<hbm>> -> memref<64xi32, #tpu.memory_space<hbm>>
    %dma_wait3A_84 = arith.constant 0 : i32
    %dma_wait3A_85 = tpu.memref_slice %arg6[%dma_wait3A_78, %dma_wait3A_84] : memref<4x64xi32, #tpu.memory_space<vmem>> -> memref<1x64xi32, #tpu.memory_space<vmem>>
    %dma_wait3A_86 = tpu.memref_squeeze %dma_wait3A_85 : memref<1x64xi32, #tpu.memory_space<vmem>> -> memref<64xi32, #tpu.memory_space<vmem>>
    %dma_wait3A_87 = tpu.memref_slice %arg2[%dma_wait3A_77, %mul3A_2] : memref<4x2048xi32, #tpu.memory_space<hbm>> -> memref<1x64xi32, #tpu.memory_space<hbm>>
    %dma_wait3A_88 = tpu.memref_squeeze %dma_wait3A_87 : memref<1x64xi32, #tpu.memory_space<hbm>> -> memref<64xi32, #tpu.memory_space<hbm>>
    tpu.wait_dma2 semaphore(%arg12 : memref<!tpu.dma_semaphore, #tpu.memory_space<semaphore_mem>>) src(%dma_wait3A_88 : memref<64xi32, #tpu.memory_space<hbm>>) dst(%dma_wait3A_86 : memref<64xi32, #tpu.memory_space<vmem>>)
    %dma_start3A_89 = arith.constant 1 : i32
    %dma_start3A_90 = arith.constant 1 : i32
    %dma_start3A_91 = arith.constant 0 : i32
    %dma_start3A_92 = arith.constant 0 : i32
    %dma_start3A_93 = tpu.memref_slice %arg7[%dma_start3A_90, %dma_start3A_91, %dma_start3A_92] : memref<4x64x128xf32, #tpu.memory_space<vmem>> -> memref<1x64x128xf32, #tpu.memory_space<vmem>>
    %dma_start3A_94 = tpu.memref_squeeze %dma_start3A_93 : memref<1x64x128xf32, #tpu.memory_space<vmem>> -> memref<64x128xf32, #tpu.memory_space<vmem>>
    %dma_start3A_95 = arith.constant 0 : i32
    %dma_start3A_96 = tpu.memref_slice %arg6[%dma_start3A_89, %dma_start3A_95] : memref<4x64xi32, #tpu.memory_space<vmem>> -> memref<1x64xi32, #tpu.memory_space<vmem>>
    %dma_start3A_97 = tpu.memref_squeeze %dma_start3A_96 : memref<1x64xi32, #tpu.memory_space<vmem>> -> memref<64xi32, #tpu.memory_space<vmem>>
    %dma_start3A_98 = arith.constant 0 : i32
    %dma_start3A_99 = arith.constant 0 : i32
    %dma_start3A_100 = tpu.memref_slice %arg3[%dma_start3A_98, %dma_start3A_99] : memref<100000x128xf32, #tpu.memory_space<hbm>> -> memref<100000x128xf32, #tpu.memory_space<hbm>>
    tpu.enqueue_indirect_dma source(%dma_start3A_100 : memref<100000x128xf32, #tpu.memory_space<hbm>>) target(%dma_start3A_94 : memref<64x128xf32, #tpu.memory_space<vmem>>) offsets(%dma_start3A_97 : memref<64xi32, #tpu.memory_space<vmem>>) semaphore(%arg9 : memref<!tpu.dma_semaphore, #tpu.memory_space<semaphore_mem>>)
    %dma_wait3A_101 = arith.constant 2 : i32
    %dma_wait3A_102 = arith.constant 2 : i32
    %dma_wait3A_103 = arith.constant 0 : i32
    %dma_wait3A_104 = tpu.memref_slice %arg6[%dma_wait3A_102, %dma_wait3A_103] : memref<4x64xi32, #tpu.memory_space<vmem>> -> memref<1x64xi32, #tpu.memory_space<vmem>>
    %dma_wait3A_105 = tpu.memref_squeeze %dma_wait3A_104 : memref<1x64xi32, #tpu.memory_space<vmem>> -> memref<64xi32, #tpu.memory_space<vmem>>
    %dma_wait3A_106 = tpu.memref_slice %arg2[%dma_wait3A_101, %mul3A_2] : memref<4x2048xi32, #tpu.memory_space<hbm>> -> memref<1x64xi32, #tpu.memory_space<hbm>>
    %dma_wait3A_107 = tpu.memref_squeeze %dma_wait3A_106 : memref<1x64xi32, #tpu.memory_space<hbm>> -> memref<64xi32, #tpu.memory_space<hbm>>
    %dma_wait3A_108 = arith.constant 0 : i32
    %dma_wait3A_109 = tpu.memref_slice %arg6[%dma_wait3A_102, %dma_wait3A_108] : memref<4x64xi32, #tpu.memory_space<vmem>> -> memref<1x64xi32, #tpu.memory_space<vmem>>
    %dma_wait3A_110 = tpu.memref_squeeze %dma_wait3A_109 : memref<1x64xi32, #tpu.memory_space<vmem>> -> memref<64xi32, #tpu.memory_space<vmem>>
    %dma_wait3A_111 = tpu.memref_slice %arg2[%dma_wait3A_101, %mul3A_2] : memref<4x2048xi32, #tpu.memory_space<hbm>> -> memref<1x64xi32, #tpu.memory_space<hbm>>
    %dma_wait3A_112 = tpu.memref_squeeze %dma_wait3A_111 : memref<1x64xi32, #tpu.memory_space<hbm>> -> memref<64xi32, #tpu.memory_space<hbm>>
    tpu.wait_dma2 semaphore(%arg12 : memref<!tpu.dma_semaphore, #tpu.memory_space<semaphore_mem>>) src(%dma_wait3A_112 : memref<64xi32, #tpu.memory_space<hbm>>) dst(%dma_wait3A_110 : memref<64xi32, #tpu.memory_space<vmem>>)
    %dma_start3A_113 = arith.constant 2 : i32
    %dma_start3A_114 = arith.constant 2 : i32
    %dma_start3A_115 = arith.constant 0 : i32
    %dma_start3A_116 = arith.constant 0 : i32
    %dma_start3A_117 = tpu.memref_slice %arg7[%dma_start3A_114, %dma_start3A_115, %dma_start3A_116] : memref<4x64x128xf32, #tpu.memory_space<vmem>> -> memref<1x64x128xf32, #tpu.memory_space<vmem>>
    %dma_start3A_118 = tpu.memref_squeeze %dma_start3A_117 : memref<1x64x128xf32, #tpu.memory_space<vmem>> -> memref<64x128xf32, #tpu.memory_space<vmem>>
    %dma_start3A_119 = arith.constant 0 : i32
    %dma_start3A_120 = tpu.memref_slice %arg6[%dma_start3A_113, %dma_start3A_119] : memref<4x64xi32, #tpu.memory_space<vmem>> -> memref<1x64xi32, #tpu.memory_space<vmem>>
    %dma_start3A_121 = tpu.memref_squeeze %dma_start3A_120 : memref<1x64xi32, #tpu.memory_space<vmem>> -> memref<64xi32, #tpu.memory_space<vmem>>
    %dma_start3A_122 = arith.constant 0 : i32
    %dma_start3A_123 = arith.constant 0 : i32
    %dma_start3A_124 = tpu.memref_slice %arg3[%dma_start3A_122, %dma_start3A_123] : memref<100000x128xf32, #tpu.memory_space<hbm>> -> memref<100000x128xf32, #tpu.memory_space<hbm>>
    tpu.enqueue_indirect_dma source(%dma_start3A_124 : memref<100000x128xf32, #tpu.memory_space<hbm>>) target(%dma_start3A_118 : memref<64x128xf32, #tpu.memory_space<vmem>>) offsets(%dma_start3A_121 : memref<64xi32, #tpu.memory_space<vmem>>) semaphore(%arg9 : memref<!tpu.dma_semaphore, #tpu.memory_space<semaphore_mem>>)
    %dma_wait3A_125 = arith.constant 3 : i32
    %dma_wait3A_126 = arith.constant 3 : i32
    %dma_wait3A_127 = arith.constant 0 : i32
    %dma_wait3A_128 = tpu.memref_slice %arg6[%dma_wait3A_126, %dma_wait3A_127] : memref<4x64xi32, #tpu.memory_space<vmem>> -> memref<1x64xi32, #tpu.memory_space<vmem>>
    %dma_wait3A_129 = tpu.memref_squeeze %dma_wait3A_128 : memref<1x64xi32, #tpu.memory_space<vmem>> -> memref<64xi32, #tpu.memory_space<vmem>>
    %dma_wait3A_130 = tpu.memref_slice %arg2[%dma_wait3A_125, %mul3A_2] : memref<4x2048xi32, #tpu.memory_space<hbm>> -> memref<1x64xi32, #tpu.memory_space<hbm>>
    %dma_wait3A_131 = tpu.memref_squeeze %dma_wait3A_130 : memref<1x64xi32, #tpu.memory_space<hbm>> -> memref<64xi32, #tpu.memory_space<hbm>>
    %dma_wait3A_132 = arith.constant 0 : i32
    %dma_wait3A_133 = tpu.memref_slice %arg6[%dma_wait3A_126, %dma_wait3A_132] : memref<4x64xi32, #tpu.memory_space<vmem>> -> memref<1x64xi32, #tpu.memory_space<vmem>>
    %dma_wait3A_134 = tpu.memref_squeeze %dma_wait3A_133 : memref<1x64xi32, #tpu.memory_space<vmem>> -> memref<64xi32, #tpu.memory_space<vmem>>
    %dma_wait3A_135 = tpu.memref_slice %arg2[%dma_wait3A_125, %mul3A_2] : memref<4x2048xi32, #tpu.memory_space<hbm>> -> memref<1x64xi32, #tpu.memory_space<hbm>>
    %dma_wait3A_136 = tpu.memref_squeeze %dma_wait3A_135 : memref<1x64xi32, #tpu.memory_space<hbm>> -> memref<64xi32, #tpu.memory_space<hbm>>
    tpu.wait_dma2 semaphore(%arg12 : memref<!tpu.dma_semaphore, #tpu.memory_space<semaphore_mem>>) src(%dma_wait3A_136 : memref<64xi32, #tpu.memory_space<hbm>>) dst(%dma_wait3A_134 : memref<64xi32, #tpu.memory_space<vmem>>)
    %dma_start3A_137 = arith.constant 3 : i32
    %dma_start3A_138 = arith.constant 3 : i32
    %dma_start3A_139 = arith.constant 0 : i32
    %dma_start3A_140 = arith.constant 0 : i32
    %dma_start3A_141 = tpu.memref_slice %arg7[%dma_start3A_138, %dma_start3A_139, %dma_start3A_140] : memref<4x64x128xf32, #tpu.memory_space<vmem>> -> memref<1x64x128xf32, #tpu.memory_space<vmem>>
    %dma_start3A_142 = tpu.memref_squeeze %dma_start3A_141 : memref<1x64x128xf32, #tpu.memory_space<vmem>> -> memref<64x128xf32, #tpu.memory_space<vmem>>
    %dma_start3A_143 = arith.constant 0 : i32
    %dma_start3A_144 = tpu.memref_slice %arg6[%dma_start3A_137, %dma_start3A_143] : memref<4x64xi32, #tpu.memory_space<vmem>> -> memref<1x64xi32, #tpu.memory_space<vmem>>
    %dma_start3A_145 = tpu.memref_squeeze %dma_start3A_144 : memref<1x64xi32, #tpu.memory_space<vmem>> -> memref<64xi32, #tpu.memory_space<vmem>>
    %dma_start3A_146 = arith.constant 0 : i32
    %dma_start3A_147 = arith.constant 0 : i32
    %dma_start3A_148 = tpu.memref_slice %arg3[%dma_start3A_146, %dma_start3A_147] : memref<100000x128xf32, #tpu.memory_space<hbm>> -> memref<100000x128xf32, #tpu.memory_space<hbm>>
    tpu.enqueue_indirect_dma source(%dma_start3A_148 : memref<100000x128xf32, #tpu.memory_space<hbm>>) target(%dma_start3A_142 : memref<64x128xf32, #tpu.memory_space<vmem>>) offsets(%dma_start3A_145 : memref<64xi32, #tpu.memory_space<vmem>>) semaphore(%arg9 : memref<!tpu.dma_semaphore, #tpu.memory_space<semaphore_mem>>)
    %dma_wait3A_149 = arith.constant 0 : i32
    %dma_wait3A_150 = tpu.memref_slice %arg4[%mul3A_2, %dma_wait3A_149] : memref<2048x128xf32, #tpu.memory_space<hbm>> -> memref<64x128xf32, #tpu.memory_space<hbm>>
    %dma_wait3A_151 = arith.constant 0 : i32
    %dma_wait3A_152 = tpu.memref_slice %arg4[%mul3A_2, %dma_wait3A_151] : memref<2048x128xf32, #tpu.memory_space<hbm>> -> memref<64x128xf32, #tpu.memory_space<hbm>>
    tpu.wait_dma2 semaphore(%arg10 : memref<!tpu.dma_semaphore, #tpu.memory_space<semaphore_mem>>) src(%dma_wait3A_152 : memref<64x128xf32, #tpu.memory_space<hbm>>) dst(%arg8 : memref<64x128xf32, #tpu.memory_space<vmem>>)
    %dma_wait3A_153 = arith.constant 0 : i32
    %dma_wait3A_154 = arith.constant 0 : i32
    %dma_wait3A_155 = arith.constant 0 : i32
    %dma_wait3A_156 = arith.constant 0 : i32
    %dma_wait3A_157 = tpu.memref_slice %arg7[%dma_wait3A_154, %dma_wait3A_155, %dma_wait3A_156] : memref<4x64x128xf32, #tpu.memory_space<vmem>> -> memref<1x64x128xf32, #tpu.memory_space<vmem>>
    %dma_wait3A_158 = tpu.memref_squeeze %dma_wait3A_157 : memref<1x64x128xf32, #tpu.memory_space<vmem>> -> memref<64x128xf32, #tpu.memory_space<vmem>>
    %dma_wait3A_159 = arith.constant 0 : i32
    %dma_wait3A_160 = tpu.memref_slice %arg6[%dma_wait3A_153, %dma_wait3A_159] : memref<4x64xi32, #tpu.memory_space<vmem>> -> memref<1x64xi32, #tpu.memory_space<vmem>>
    %dma_wait3A_161 = tpu.memref_squeeze %dma_wait3A_160 : memref<1x64xi32, #tpu.memory_space<vmem>> -> memref<64xi32, #tpu.memory_space<vmem>>
    %dma_wait3A_162 = arith.constant 0 : i32
    %dma_wait3A_163 = arith.constant 0 : i32
    %dma_wait3A_164 = tpu.memref_slice %arg3[%dma_wait3A_162, %dma_wait3A_163] : memref<100000x128xf32, #tpu.memory_space<hbm>> -> memref<100000x128xf32, #tpu.memory_space<hbm>>
    tpu.wait_indirect_dma semaphore(%arg9 : memref<!tpu.dma_semaphore, #tpu.memory_space<semaphore_mem>>) src(%dma_wait3A_164 : memref<100000x128xf32, #tpu.memory_space<hbm>>) dst(%dma_wait3A_158 : memref<64x128xf32, #tpu.memory_space<vmem>>)
    %parallel_loop3A = arith.constant 0 : i32
    %parallel_loop3A_165 = arith.constant 64 : i32
    %parallel_loop3A_166 = arith.constant 1 : i32
    scf.for %parallel_loop3A_340 = %parallel_loop3A to %parallel_loop3A_165 step %parallel_loop3A_166  : i32 {
      %parallel_loop3A_341 = arith.index_cast %parallel_loop3A_340 : i32 to index
      %parallel_loop3A_342 = arith.constant 0 : index
      %parallel_loop3A_343 = tpu.vector_load %arg8[%parallel_loop3A_341, %parallel_loop3A_342] {strides = array<i32>} : memref<64x128xf32, #tpu.memory_space<vmem>>, vector<1x16xf32>,
      %parallel_loop3A_344 = vector.shape_cast %parallel_loop3A_343 : vector<1x16xf32> to vector<16xf32>
      %parallel_loop3A_345 = arith.constant 0 : i32
      %parallel_loop3A_346 = arith.index_cast %parallel_loop3A_345 : i32 to index
      %parallel_loop3A_347 = arith.index_cast %parallel_loop3A_340 : i32 to index
      %parallel_loop3A_348 = arith.constant 0 : index
      %parallel_loop3A_349 = tpu.vector_load %arg7[%parallel_loop3A_346, %parallel_loop3A_347, %parallel_loop3A_348] {strides = array<i32>} : memref<4x64x128xf32, #tpu.memory_space<vmem>>, vector<1x1x16xf32>,
      %parallel_loop3A_350 = vector.shape_cast %parallel_loop3A_349 : vector<1x1x16xf32> to vector<16xf32>
      %parallel_loop3A_351 = vector.shape_cast %parallel_loop3A_344 : vector<16xf32> to vector<1x1x16xf32>
      tpu.vector_store %arg7[%parallel_loop3A_346, %parallel_loop3A_347, %parallel_loop3A_348], %parallel_loop3A_351 {add = true, strides = array<i32>} : memref<4x64x128xf32, #tpu.memory_space<vmem>>, vector<1x1x16xf32>,
      %parallel_loop3A_352 = arith.index_cast %parallel_loop3A_340 : i32 to index
      %parallel_loop3A_353 = arith.constant 16 : index
      %parallel_loop3A_354 = tpu.vector_load %arg8[%parallel_loop3A_352, %parallel_loop3A_353] {strides = array<i32>} : memref<64x128xf32, #tpu.memory_space<vmem>>, vector<1x16xf32>,
      %parallel_loop3A_355 = vector.shape_cast %parallel_loop3A_354 : vector<1x16xf32> to vector<16xf32>
      %parallel_loop3A_356 = arith.constant 0 : i32
      %parallel_loop3A_357 = arith.index_cast %parallel_loop3A_356 : i32 to index
      %parallel_loop3A_358 = arith.index_cast %parallel_loop3A_340 : i32 to index
      %parallel_loop3A_359 = arith.constant 16 : index
      %parallel_loop3A_360 = tpu.vector_load %arg7[%parallel_loop3A_357, %parallel_loop3A_358, %parallel_loop3A_359] {strides = array<i32>} : memref<4x64x128xf32, #tpu.memory_space<vmem>>, vector<1x1x16xf32>,
      %parallel_loop3A_361 = vector.shape_cast %parallel_loop3A_360 : vector<1x1x16xf32> to vector<16xf32>
      %parallel_loop3A_362 = vector.shape_cast %parallel_loop3A_355 : vector<16xf32> to vector<1x1x16xf32>
      tpu.vector_store %arg7[%parallel_loop3A_357, %parallel_loop3A_358, %parallel_loop3A_359], %parallel_loop3A_362 {add = true, strides = array<i32>} : memref<4x64x128xf32, #tpu.memory_space<vmem>>, vector<1x1x16xf32>,
      %parallel_loop3A_363 = arith.index_cast %parallel_loop3A_340 : i32 to index
      %parallel_loop3A_364 = arith.constant 32 : index
      %parallel_loop3A_365 = tpu.vector_load %arg8[%parallel_loop3A_363, %parallel_loop3A_364] {strides = array<i32>} : memref<64x128xf32, #tpu.memory_space<vmem>>, vector<1x16xf32>,
      %parallel_loop3A_366 = vector.shape_cast %parallel_loop3A_365 : vector<1x16xf32> to vector<16xf32>
      %parallel_loop3A_367 = arith.constant 0 : i32
      %parallel_loop3A_368 = arith.index_cast %parallel_loop3A_367 : i32 to index
      %parallel_loop3A_369 = arith.index_cast %parallel_loop3A_340 : i32 to index
      %parallel_loop3A_370 = arith.constant 32 : index
      %parallel_loop3A_371 = tpu.vector_load %arg7[%parallel_loop3A_368, %parallel_loop3A_369, %parallel_loop3A_370] {strides = array<i32>} : memref<4x64x128xf32, #tpu.memory_space<vmem>>, vector<1x1x16xf32>,
      %parallel_loop3A_372 = vector.shape_cast %parallel_loop3A_371 : vector<1x1x16xf32> to vector<16xf32>
      %parallel_loop3A_373 = vector.shape_cast %parallel_loop3A_366 : vector<16xf32> to vector<1x1x16xf32>
      tpu.vector_store %arg7[%parallel_loop3A_368, %parallel_loop3A_369, %parallel_loop3A_370], %parallel_loop3A_373 {add = true, strides = array<i32>} : memref<4x64x128xf32, #tpu.memory_space<vmem>>, vector<1x1x16xf32>,
      %parallel_loop3A_374 = arith.index_cast %parallel_loop3A_340 : i32 to index
      %parallel_loop3A_375 = arith.constant 48 : index
      %parallel_loop3A_376 = tpu.vector_load %arg8[%parallel_loop3A_374, %parallel_loop3A_375] {strides = array<i32>} : memref<64x128xf32, #tpu.memory_space<vmem>>, vector<1x16xf32>,
      %parallel_loop3A_377 = vector.shape_cast %parallel_loop3A_376 : vector<1x16xf32> to vector<16xf32>
      %parallel_loop3A_378 = arith.constant 0 : i32
      %parallel_loop3A_379 = arith.index_cast %parallel_loop3A_378 : i32 to index
      %parallel_loop3A_380 = arith.index_cast %parallel_loop3A_340 : i32 to index
      %parallel_loop3A_381 = arith.constant 48 : index
      %parallel_loop3A_382 = tpu.vector_load %arg7[%parallel_loop3A_379, %parallel_loop3A_380, %parallel_loop3A_381] {strides = array<i32>} : memref<4x64x128xf32, #tpu.memory_space<vmem>>, vector<1x1x16xf32>,
      %parallel_loop3A_383 = vector.shape_cast %parallel_loop3A_382 : vector<1x1x16xf32> to vector<16xf32>
      %parallel_loop3A_384 = vector.shape_cast %parallel_loop3A_377 : vector<16xf32> to vector<1x1x16xf32>
      tpu.vector_store %arg7[%parallel_loop3A_379, %parallel_loop3A_380, %parallel_loop3A_381], %parallel_loop3A_384 {add = true, strides = array<i32>} : memref<4x64x128xf32, #tpu.memory_space<vmem>>, vector<1x1x16xf32>,
      %parallel_loop3A_385 = arith.index_cast %parallel_loop3A_340 : i32 to index
      %parallel_loop3A_386 = arith.constant 64 : index
      %parallel_loop3A_387 = tpu.vector_load %arg8[%parallel_loop3A_385, %parallel_loop3A_386] {strides = array<i32>} : memref<64x128xf32, #tpu.memory_space<vmem>>, vector<1x16xf32>,
      %parallel_loop3A_388 = vector.shape_cast %parallel_loop3A_387 : vector<1x16xf32> to vector<16xf32>
      %parallel_loop3A_389 = arith.constant 0 : i32
      %parallel_loop3A_390 = arith.index_cast %parallel_loop3A_389 : i32 to index
      %parallel_loop3A_391 = arith.index_cast %parallel_loop3A_340 : i32 to index
      %parallel_loop3A_392 = arith.constant 64 : index
      %parallel_loop3A_393 = tpu.vector_load %arg7[%parallel_loop3A_390, %parallel_loop3A_391, %parallel_loop3A_392] {strides = array<i32>} : memref<4x64x128xf32, #tpu.memory_space<vmem>>, vector<1x1x16xf32>,
      %parallel_loop3A_394 = vector.shape_cast %parallel_loop3A_393 : vector<1x1x16xf32> to vector<16xf32>
      %parallel_loop3A_395 = vector.shape_cast %parallel_loop3A_388 : vector<16xf32> to vector<1x1x16xf32>
      tpu.vector_store %arg7[%parallel_loop3A_390, %parallel_loop3A_391, %parallel_loop3A_392], %parallel_loop3A_395 {add = true, strides = array<i32>} : memref<4x64x128xf32, #tpu.memory_space<vmem>>, vector<1x1x16xf32>,
      %parallel_loop3A_396 = arith.index_cast %parallel_loop3A_340 : i32 to index
      %parallel_loop3A_397 = arith.constant 80 : index
      %parallel_loop3A_398 = tpu.vector_load %arg8[%parallel_loop3A_396, %parallel_loop3A_397] {strides = array<i32>} : memref<64x128xf32, #tpu.memory_space<vmem>>, vector<1x16xf32>,
      %parallel_loop3A_399 = vector.shape_cast %parallel_loop3A_398 : vector<1x16xf32> to vector<16xf32>
      %parallel_loop3A_400 = arith.constant 0 : i32
      %parallel_loop3A_401 = arith.index_cast %parallel_loop3A_400 : i32 to index
      %parallel_loop3A_402 = arith.index_cast %parallel_loop3A_340 : i32 to index
      %parallel_loop3A_403 = arith.constant 80 : index
      %parallel_loop3A_404 = tpu.vector_load %arg7[%parallel_loop3A_401, %parallel_loop3A_402, %parallel_loop3A_403] {strides = array<i32>} : memref<4x64x128xf32, #tpu.memory_space<vmem>>, vector<1x1x16xf32>,
      %parallel_loop3A_405 = vector.shape_cast %parallel_loop3A_404 : vector<1x1x16xf32> to vector<16xf32>
      %parallel_loop3A_406 = vector.shape_cast %parallel_loop3A_399 : vector<16xf32> to vector<1x1x16xf32>
      tpu.vector_store %arg7[%parallel_loop3A_401, %parallel_loop3A_402, %parallel_loop3A_403], %parallel_loop3A_406 {add = true, strides = array<i32>} : memref<4x64x128xf32, #tpu.memory_space<vmem>>, vector<1x1x16xf32>,
      %parallel_loop3A_407 = arith.index_cast %parallel_loop3A_340 : i32 to index
      %parallel_loop3A_408 = arith.constant 96 : index
      %parallel_loop3A_409 = tpu.vector_load %arg8[%parallel_loop3A_407, %parallel_loop3A_408] {strides = array<i32>} : memref<64x128xf32, #tpu.memory_space<vmem>>, vector<1x16xf32>,
      %parallel_loop3A_410 = vector.shape_cast %parallel_loop3A_409 : vector<1x16xf32> to vector<16xf32>
      %parallel_loop3A_411 = arith.constant 0 : i32
      %parallel_loop3A_412 = arith.index_cast %parallel_loop3A_411 : i32 to index
      %parallel_loop3A_413 = arith.index_cast %parallel_loop3A_340 : i32 to index
      %parallel_loop3A_414 = arith.constant 96 : index
      %parallel_loop3A_415 = tpu.vector_load %arg7[%parallel_loop3A_412, %parallel_loop3A_413, %parallel_loop3A_414] {strides = array<i32>} : memref<4x64x128xf32, #tpu.memory_space<vmem>>, vector<1x1x16xf32>,
      %parallel_loop3A_416 = vector.shape_cast %parallel_loop3A_415 : vector<1x1x16xf32> to vector<16xf32>
      %parallel_loop3A_417 = vector.shape_cast %parallel_loop3A_410 : vector<16xf32> to vector<1x1x16xf32>
      tpu.vector_store %arg7[%parallel_loop3A_412, %parallel_loop3A_413, %parallel_loop3A_414], %parallel_loop3A_417 {add = true, strides = array<i32>} : memref<4x64x128xf32, #tpu.memory_space<vmem>>, vector<1x1x16xf32>,
      %parallel_loop3A_418 = arith.index_cast %parallel_loop3A_340 : i32 to index
      %parallel_loop3A_419 = arith.constant 112 : index
      %parallel_loop3A_420 = tpu.vector_load %arg8[%parallel_loop3A_418, %parallel_loop3A_419] {strides = array<i32>} : memref<64x128xf32, #tpu.memory_space<vmem>>, vector<1x16xf32>,
      %parallel_loop3A_421 = vector.shape_cast %parallel_loop3A_420 : vector<1x16xf32> to vector<16xf32>
      %parallel_loop3A_422 = arith.constant 0 : i32
      %parallel_loop3A_423 = arith.index_cast %parallel_loop3A_422 : i32 to index
      %parallel_loop3A_424 = arith.index_cast %parallel_loop3A_340 : i32 to index
      %parallel_loop3A_425 = arith.constant 112 : index
      %parallel_loop3A_426 = tpu.vector_load %arg7[%parallel_loop3A_423, %parallel_loop3A_424, %parallel_loop3A_425] {strides = array<i32>} : memref<4x64x128xf32, #tpu.memory_space<vmem>>, vector<1x1x16xf32>,
      %parallel_loop3A_427 = vector.shape_cast %parallel_loop3A_426 : vector<1x1x16xf32> to vector<16xf32>
      %parallel_loop3A_428 = vector.shape_cast %parallel_loop3A_421 : vector<16xf32> to vector<1x1x16xf32>
      tpu.vector_store %arg7[%parallel_loop3A_423, %parallel_loop3A_424, %parallel_loop3A_425], %parallel_loop3A_428 {add = true, strides = array<i32>} : memref<4x64x128xf32, #tpu.memory_space<vmem>>, vector<1x1x16xf32>,
    } {sc.loop_unroll_factor = 1 : i64, sc.parallel_access}
    %dma_start3A_167 = arith.constant 0 : i32
    %dma_start3A_168 = arith.constant 0 : i32
    %dma_start3A_169 = arith.constant 0 : i32
    %dma_start3A_170 = arith.constant 0 : i32
    %dma_start3A_171 = tpu.memref_slice %arg7[%dma_start3A_167, %dma_start3A_169, %dma_start3A_170] : memref<4x64x128xf32, #tpu.memory_space<vmem>> -> memref<1x64x128xf32, #tpu.memory_space<vmem>>
    %dma_start3A_172 = tpu.memref_squeeze %dma_start3A_171 : memref<1x64x128xf32, #tpu.memory_space<vmem>> -> memref<64x128xf32, #tpu.memory_space<vmem>>
    %dma_start3A_173 = arith.constant 0 : i32
    %dma_start3A_174 = tpu.memref_slice %arg5[%dma_start3A_168, %mul3A_2, %dma_start3A_173] : memref<4x2048x128xf32, #tpu.memory_space<hbm>> -> memref<1x64x128xf32, #tpu.memory_space<hbm>>
    %dma_start3A_175 = tpu.memref_squeeze %dma_start3A_174 : memref<1x64x128xf32, #tpu.memory_space<hbm>> -> memref<64x128xf32, #tpu.memory_space<hbm>>
    %dma_start3A_176 = arith.constant 0 : i32
    %dma_start3A_177 = tpu.memref_slice %arg5[%dma_start3A_168, %mul3A_2, %dma_start3A_176] : memref<4x2048x128xf32, #tpu.memory_space<hbm>> -> memref<1x64x128xf32, #tpu.memory_space<hbm>>
    %dma_start3A_178 = tpu.memref_squeeze %dma_start3A_177 : memref<1x64x128xf32, #tpu.memory_space<hbm>> -> memref<64x128xf32, #tpu.memory_space<hbm>>
    %dma_start3A_179 = arith.constant 0 : i32
    %dma_start3A_180 = arith.constant 0 : i32
    %dma_start3A_181 = tpu.memref_slice %arg7[%dma_start3A_167, %dma_start3A_179, %dma_start3A_180] : memref<4x64x128xf32, #tpu.memory_space<vmem>> -> memref<1x64x128xf32, #tpu.memory_space<vmem>>
    %dma_start3A_182 = tpu.memref_squeeze %dma_start3A_181 : memref<1x64x128xf32, #tpu.memory_space<vmem>> -> memref<64x128xf32, #tpu.memory_space<vmem>>
    tpu.enqueue_dma source(%dma_start3A_182 : memref<64x128xf32, #tpu.memory_space<vmem>>) target(%dma_start3A_178 : memref<64x128xf32, #tpu.memory_space<hbm>>) target_semaphore(%arg11 : memref<!tpu.dma_semaphore, #tpu.memory_space<semaphore_mem>>)
    %dma_wait3A_183 = arith.constant 1 : i32
    %dma_wait3A_184 = arith.constant 1 : i32
    %dma_wait3A_185 = arith.constant 0 : i32
    %dma_wait3A_186 = arith.constant 0 : i32
    %dma_wait3A_187 = tpu.memref_slice %arg7[%dma_wait3A_184, %dma_wait3A_185, %dma_wait3A_186] : memref<4x64x128xf32, #tpu.memory_space<vmem>> -> memref<1x64x128xf32, #tpu.memory_space<vmem>>
    %dma_wait3A_188 = tpu.memref_squeeze %dma_wait3A_187 : memref<1x64x128xf32, #tpu.memory_space<vmem>> -> memref<64x128xf32, #tpu.memory_space<vmem>>
    %dma_wait3A_189 = arith.constant 0 : i32
    %dma_wait3A_190 = tpu.memref_slice %arg6[%dma_wait3A_183, %dma_wait3A_189] : memref<4x64xi32, #tpu.memory_space<vmem>> -> memref<1x64xi32, #tpu.memory_space<vmem>>
    %dma_wait3A_191 = tpu.memref_squeeze %dma_wait3A_190 : memref<1x64xi32, #tpu.memory_space<vmem>> -> memref<64xi32, #tpu.memory_space<vmem>>
    %dma_wait3A_192 = arith.constant 0 : i32
    %dma_wait3A_193 = arith.constant 0 : i32
    %dma_wait3A_194 = tpu.memref_slice %arg3[%dma_wait3A_192, %dma_wait3A_193] : memref<100000x128xf32, #tpu.memory_space<hbm>> -> memref<100000x128xf32, #tpu.memory_space<hbm>>
    tpu.wait_indirect_dma semaphore(%arg9 : memref<!tpu.dma_semaphore, #tpu.memory_space<semaphore_mem>>) src(%dma_wait3A_194 : memref<100000x128xf32, #tpu.memory_space<hbm>>) dst(%dma_wait3A_188 : memref<64x128xf32, #tpu.memory_space<vmem>>)
    %parallel_loop3A_195 = arith.constant 0 : i32
    %parallel_loop3A_196 = arith.constant 64 : i32
    %parallel_loop3A_197 = arith.constant 1 : i32
    scf.for %parallel_loop3A_340 = %parallel_loop3A_195 to %parallel_loop3A_196 step %parallel_loop3A_197  : i32 {
      %parallel_loop3A_341 = arith.index_cast %parallel_loop3A_340 : i32 to index
      %parallel_loop3A_342 = arith.constant 0 : index
      %parallel_loop3A_343 = tpu.vector_load %arg8[%parallel_loop3A_341, %parallel_loop3A_342] {strides = array<i32>} : memref<64x128xf32, #tpu.memory_space<vmem>>, vector<1x16xf32>,
      %parallel_loop3A_344 = vector.shape_cast %parallel_loop3A_343 : vector<1x16xf32> to vector<16xf32>
      %parallel_loop3A_345 = arith.constant 1 : i32
      %parallel_loop3A_346 = arith.index_cast %parallel_loop3A_345 : i32 to index
      %parallel_loop3A_347 = arith.index_cast %parallel_loop3A_340 : i32 to index
      %parallel_loop3A_348 = arith.constant 0 : index
      %parallel_loop3A_349 = tpu.vector_load %arg7[%parallel_loop3A_346, %parallel_loop3A_347, %parallel_loop3A_348] {strides = array<i32>} : memref<4x64x128xf32, #tpu.memory_space<vmem>>, vector<1x1x16xf32>,
      %parallel_loop3A_350 = vector.shape_cast %parallel_loop3A_349 : vector<1x1x16xf32> to vector<16xf32>
      %parallel_loop3A_351 = vector.shape_cast %parallel_loop3A_344 : vector<16xf32> to vector<1x1x16xf32>
      tpu.vector_store %arg7[%parallel_loop3A_346, %parallel_loop3A_347, %parallel_loop3A_348], %parallel_loop3A_351 {add = true, strides = array<i32>} : memref<4x64x128xf32, #tpu.memory_space<vmem>>, vector<1x1x16xf32>,
      %parallel_loop3A_352 = arith.index_cast %parallel_loop3A_340 : i32 to index
      %parallel_loop3A_353 = arith.constant 16 : index
      %parallel_loop3A_354 = tpu.vector_load %arg8[%parallel_loop3A_352, %parallel_loop3A_353] {strides = array<i32>} : memref<64x128xf32, #tpu.memory_space<vmem>>, vector<1x16xf32>,
      %parallel_loop3A_355 = vector.shape_cast %parallel_loop3A_354 : vector<1x16xf32> to vector<16xf32>
      %parallel_loop3A_356 = arith.constant 1 : i32
      %parallel_loop3A_357 = arith.index_cast %parallel_loop3A_356 : i32 to index
      %parallel_loop3A_358 = arith.index_cast %parallel_loop3A_340 : i32 to index
      %parallel_loop3A_359 = arith.constant 16 : index
      %parallel_loop3A_360 = tpu.vector_load %arg7[%parallel_loop3A_357, %parallel_loop3A_358, %parallel_loop3A_359] {strides = array<i32>} : memref<4x64x128xf32, #tpu.memory_space<vmem>>, vector<1x1x16xf32>,
      %parallel_loop3A_361 = vector.shape_cast %parallel_loop3A_360 : vector<1x1x16xf32> to vector<16xf32>
      %parallel_loop3A_362 = vector.shape_cast %parallel_loop3A_355 : vector<16xf32> to vector<1x1x16xf32>
      tpu.vector_store %arg7[%parallel_loop3A_357, %parallel_loop3A_358, %parallel_loop3A_359], %parallel_loop3A_362 {add = true, strides = array<i32>} : memref<4x64x128xf32, #tpu.memory_space<vmem>>, vector<1x1x16xf32>,
      %parallel_loop3A_363 = arith.index_cast %parallel_loop3A_340 : i32 to index
      %parallel_loop3A_364 = arith.constant 32 : index
      %parallel_loop3A_365 = tpu.vector_load %arg8[%parallel_loop3A_363, %parallel_loop3A_364] {strides = array<i32>} : memref<64x128xf32, #tpu.memory_space<vmem>>, vector<1x16xf32>,
      %parallel_loop3A_366 = vector.shape_cast %parallel_loop3A_365 : vector<1x16xf32> to vector<16xf32>
      %parallel_loop3A_367 = arith.constant 1 : i32
      %parallel_loop3A_368 = arith.index_cast %parallel_loop3A_367 : i32 to index
      %parallel_loop3A_369 = arith.index_cast %parallel_loop3A_340 : i32 to index
      %parallel_loop3A_370 = arith.constant 32 : index
      %parallel_loop3A_371 = tpu.vector_load %arg7[%parallel_loop3A_368, %parallel_loop3A_369, %parallel_loop3A_370] {strides = array<i32>} : memref<4x64x128xf32, #tpu.memory_space<vmem>>, vector<1x1x16xf32>,
      %parallel_loop3A_372 = vector.shape_cast %parallel_loop3A_371 : vector<1x1x16xf32> to vector<16xf32>
      %parallel_loop3A_373 = vector.shape_cast %parallel_loop3A_366 : vector<16xf32> to vector<1x1x16xf32>
      tpu.vector_store %arg7[%parallel_loop3A_368, %parallel_loop3A_369, %parallel_loop3A_370], %parallel_loop3A_373 {add = true, strides = array<i32>} : memref<4x64x128xf32, #tpu.memory_space<vmem>>, vector<1x1x16xf32>,
      %parallel_loop3A_374 = arith.index_cast %parallel_loop3A_340 : i32 to index
      %parallel_loop3A_375 = arith.constant 48 : index
      %parallel_loop3A_376 = tpu.vector_load %arg8[%parallel_loop3A_374, %parallel_loop3A_375] {strides = array<i32>} : memref<64x128xf32, #tpu.memory_space<vmem>>, vector<1x16xf32>,
      %parallel_loop3A_377 = vector.shape_cast %parallel_loop3A_376 : vector<1x16xf32> to vector<16xf32>
      %parallel_loop3A_378 = arith.constant 1 : i32
      %parallel_loop3A_379 = arith.index_cast %parallel_loop3A_378 : i32 to index
      %parallel_loop3A_380 = arith.index_cast %parallel_loop3A_340 : i32 to index
      %parallel_loop3A_381 = arith.constant 48 : index
      %parallel_loop3A_382 = tpu.vector_load %arg7[%parallel_loop3A_379, %parallel_loop3A_380, %parallel_loop3A_381] {strides = array<i32>} : memref<4x64x128xf32, #tpu.memory_space<vmem>>, vector<1x1x16xf32>,
      %parallel_loop3A_383 = vector.shape_cast %parallel_loop3A_382 : vector<1x1x16xf32> to vector<16xf32>
      %parallel_loop3A_384 = vector.shape_cast %parallel_loop3A_377 : vector<16xf32> to vector<1x1x16xf32>
      tpu.vector_store %arg7[%parallel_loop3A_379, %parallel_loop3A_380, %parallel_loop3A_381], %parallel_loop3A_384 {add = true, strides = array<i32>} : memref<4x64x128xf32, #tpu.memory_space<vmem>>, vector<1x1x16xf32>,
      %parallel_loop3A_385 = arith.index_cast %parallel_loop3A_340 : i32 to index
      %parallel_loop3A_386 = arith.constant 64 : index
      %parallel_loop3A_387 = tpu.vector_load %arg8[%parallel_loop3A_385, %parallel_loop3A_386] {strides = array<i32>} : memref<64x128xf32, #tpu.memory_space<vmem>>, vector<1x16xf32>,
      %parallel_loop3A_388 = vector.shape_cast %parallel_loop3A_387 : vector<1x16xf32> to vector<16xf32>
      %parallel_loop3A_389 = arith.constant 1 : i32
      %parallel_loop3A_390 = arith.index_cast %parallel_loop3A_389 : i32 to index
      %parallel_loop3A_391 = arith.index_cast %parallel_loop3A_340 : i32 to index
      %parallel_loop3A_392 = arith.constant 64 : index
      %parallel_loop3A_393 = tpu.vector_load %arg7[%parallel_loop3A_390, %parallel_loop3A_391, %parallel_loop3A_392] {strides = array<i32>} : memref<4x64x128xf32, #tpu.memory_space<vmem>>, vector<1x1x16xf32>,
      %parallel_loop3A_394 = vector.shape_cast %parallel_loop3A_393 : vector<1x1x16xf32> to vector<16xf32>
      %parallel_loop3A_395 = vector.shape_cast %parallel_loop3A_388 : vector<16xf32> to vector<1x1x16xf32>
      tpu.vector_store %arg7[%parallel_loop3A_390, %parallel_loop3A_391, %parallel_loop3A_392], %parallel_loop3A_395 {add = true, strides = array<i32>} : memref<4x64x128xf32, #tpu.memory_space<vmem>>, vector<1x1x16xf32>,
      %parallel_loop3A_396 = arith.index_cast %parallel_loop3A_340 : i32 to index
      %parallel_loop3A_397 = arith.constant 80 : index
      %parallel_loop3A_398 = tpu.vector_load %arg8[%parallel_loop3A_396, %parallel_loop3A_397] {strides = array<i32>} : memref<64x128xf32, #tpu.memory_space<vmem>>, vector<1x16xf32>,
      %parallel_loop3A_399 = vector.shape_cast %parallel_loop3A_398 : vector<1x16xf32> to vector<16xf32>
      %parallel_loop3A_400 = arith.constant 1 : i32
      %parallel_loop3A_401 = arith.index_cast %parallel_loop3A_400 : i32 to index
      %parallel_loop3A_402 = arith.index_cast %parallel_loop3A_340 : i32 to index
      %parallel_loop3A_403 = arith.constant 80 : index
      %parallel_loop3A_404 = tpu.vector_load %arg7[%parallel_loop3A_401, %parallel_loop3A_402, %parallel_loop3A_403] {strides = array<i32>} : memref<4x64x128xf32, #tpu.memory_space<vmem>>, vector<1x1x16xf32>,
      %parallel_loop3A_405 = vector.shape_cast %parallel_loop3A_404 : vector<1x1x16xf32> to vector<16xf32>
      %parallel_loop3A_406 = vector.shape_cast %parallel_loop3A_399 : vector<16xf32> to vector<1x1x16xf32>
      tpu.vector_store %arg7[%parallel_loop3A_401, %parallel_loop3A_402, %parallel_loop3A_403], %parallel_loop3A_406 {add = true, strides = array<i32>} : memref<4x64x128xf32, #tpu.memory_space<vmem>>, vector<1x1x16xf32>,
      %parallel_loop3A_407 = arith.index_cast %parallel_loop3A_340 : i32 to index
      %parallel_loop3A_408 = arith.constant 96 : index
      %parallel_loop3A_409 = tpu.vector_load %arg8[%parallel_loop3A_407, %parallel_loop3A_408] {strides = array<i32>} : memref<64x128xf32, #tpu.memory_space<vmem>>, vector<1x16xf32>,
      %parallel_loop3A_410 = vector.shape_cast %parallel_loop3A_409 : vector<1x16xf32> to vector<16xf32>
      %parallel_loop3A_411 = arith.constant 1 : i32
      %parallel_loop3A_412 = arith.index_cast %parallel_loop3A_411 : i32 to index
      %parallel_loop3A_413 = arith.index_cast %parallel_loop3A_340 : i32 to index
      %parallel_loop3A_414 = arith.constant 96 : index
      %parallel_loop3A_415 = tpu.vector_load %arg7[%parallel_loop3A_412, %parallel_loop3A_413, %parallel_loop3A_414] {strides = array<i32>} : memref<4x64x128xf32, #tpu.memory_space<vmem>>, vector<1x1x16xf32>,
      %parallel_loop3A_416 = vector.shape_cast %parallel_loop3A_415 : vector<1x1x16xf32> to vector<16xf32>
      %parallel_loop3A_417 = vector.shape_cast %parallel_loop3A_410 : vector<16xf32> to vector<1x1x16xf32>
      tpu.vector_store %arg7[%parallel_loop3A_412, %parallel_loop3A_413, %parallel_loop3A_414], %parallel_loop3A_417 {add = true, strides = array<i32>} : memref<4x64x128xf32, #tpu.memory_space<vmem>>, vector<1x1x16xf32>,
      %parallel_loop3A_418 = arith.index_cast %parallel_loop3A_340 : i32 to index
      %parallel_loop3A_419 = arith.constant 112 : index
      %parallel_loop3A_420 = tpu.vector_load %arg8[%parallel_loop3A_418, %parallel_loop3A_419] {strides = array<i32>} : memref<64x128xf32, #tpu.memory_space<vmem>>, vector<1x16xf32>,
      %parallel_loop3A_421 = vector.shape_cast %parallel_loop3A_420 : vector<1x16xf32> to vector<16xf32>
      %parallel_loop3A_422 = arith.constant 1 : i32
      %parallel_loop3A_423 = arith.index_cast %parallel_loop3A_422 : i32 to index
      %parallel_loop3A_424 = arith.index_cast %parallel_loop3A_340 : i32 to index
      %parallel_loop3A_425 = arith.constant 112 : index
      %parallel_loop3A_426 = tpu.vector_load %arg7[%parallel_loop3A_423, %parallel_loop3A_424, %parallel_loop3A_425] {strides = array<i32>} : memref<4x64x128xf32, #tpu.memory_space<vmem>>, vector<1x1x16xf32>,
      %parallel_loop3A_427 = vector.shape_cast %parallel_loop3A_426 : vector<1x1x16xf32> to vector<16xf32>
      %parallel_loop3A_428 = vector.shape_cast %parallel_loop3A_421 : vector<16xf32> to vector<1x1x16xf32>
      tpu.vector_store %arg7[%parallel_loop3A_423, %parallel_loop3A_424, %parallel_loop3A_425], %parallel_loop3A_428 {add = true, strides = array<i32>} : memref<4x64x128xf32, #tpu.memory_space<vmem>>, vector<1x1x16xf32>,
    } {sc.loop_unroll_factor = 1 : i64, sc.parallel_access}
    %dma_start3A_198 = arith.constant 1 : i32
    %dma_start3A_199 = arith.constant 1 : i32
    %dma_start3A_200 = arith.constant 0 : i32
    %dma_start3A_201 = arith.constant 0 : i32
    %dma_start3A_202 = tpu.memref_slice %arg7[%dma_start3A_198, %dma_start3A_200, %dma_start3A_201] : memref<4x64x128xf32, #tpu.memory_space<vmem>> -> memref<1x64x128xf32, #tpu.memory_space<vmem>>
    %dma_start3A_203 = tpu.memref_squeeze %dma_start3A_202 : memref<1x64x128xf32, #tpu.memory_space<vmem>> -> memref<64x128xf32, #tpu.memory_space<vmem>>
    %dma_start3A_204 = arith.constant 0 : i32
    %dma_start3A_205 = tpu.memref_slice %arg5[%dma_start3A_199, %mul3A_2, %dma_start3A_204] : memref<4x2048x128xf32, #tpu.memory_space<hbm>> -> memref<1x64x128xf32, #tpu.memory_space<hbm>>
    %dma_start3A_206 = tpu.memref_squeeze %dma_start3A_205 : memref<1x64x128xf32, #tpu.memory_space<hbm>> -> memref<64x128xf32, #tpu.memory_space<hbm>>
    %dma_start3A_207 = arith.constant 0 : i32
    %dma_start3A_208 = tpu.memref_slice %arg5[%dma_start3A_199, %mul3A_2, %dma_start3A_207] : memref<4x2048x128xf32, #tpu.memory_space<hbm>> -> memref<1x64x128xf32, #tpu.memory_space<hbm>>
    %dma_start3A_209 = tpu.memref_squeeze %dma_start3A_208 : memref<1x64x128xf32, #tpu.memory_space<hbm>> -> memref<64x128xf32, #tpu.memory_space<hbm>>
    %dma_start3A_210 = arith.constant 0 : i32
    %dma_start3A_211 = arith.constant 0 : i32
    %dma_start3A_212 = tpu.memref_slice %arg7[%dma_start3A_198, %dma_start3A_210, %dma_start3A_211] : memref<4x64x128xf32, #tpu.memory_space<vmem>> -> memref<1x64x128xf32, #tpu.memory_space<vmem>>
    %dma_start3A_213 = tpu.memref_squeeze %dma_start3A_212 : memref<1x64x128xf32, #tpu.memory_space<vmem>> -> memref<64x128xf32, #tpu.memory_space<vmem>>
    tpu.enqueue_dma source(%dma_start3A_213 : memref<64x128xf32, #tpu.memory_space<vmem>>) target(%dma_start3A_209 : memref<64x128xf32, #tpu.memory_space<hbm>>) target_semaphore(%arg11 : memref<!tpu.dma_semaphore, #tpu.memory_space<semaphore_mem>>)
    %dma_wait3A_214 = arith.constant 2 : i32
    %dma_wait3A_215 = arith.constant 2 : i32
    %dma_wait3A_216 = arith.constant 0 : i32
    %dma_wait3A_217 = arith.constant 0 : i32
    %dma_wait3A_218 = tpu.memref_slice %arg7[%dma_wait3A_215, %dma_wait3A_216, %dma_wait3A_217] : memref<4x64x128xf32, #tpu.memory_space<vmem>> -> memref<1x64x128xf32, #tpu.memory_space<vmem>>
    %dma_wait3A_219 = tpu.memref_squeeze %dma_wait3A_218 : memref<1x64x128xf32, #tpu.memory_space<vmem>> -> memref<64x128xf32, #tpu.memory_space<vmem>>
    %dma_wait3A_220 = arith.constant 0 : i32
    %dma_wait3A_221 = tpu.memref_slice %arg6[%dma_wait3A_214, %dma_wait3A_220] : memref<4x64xi32, #tpu.memory_space<vmem>> -> memref<1x64xi32, #tpu.memory_space<vmem>>
    %dma_wait3A_222 = tpu.memref_squeeze %dma_wait3A_221 : memref<1x64xi32, #tpu.memory_space<vmem>> -> memref<64xi32, #tpu.memory_space<vmem>>
    %dma_wait3A_223 = arith.constant 0 : i32
    %dma_wait3A_224 = arith.constant 0 : i32
    %dma_wait3A_225 = tpu.memref_slice %arg3[%dma_wait3A_223, %dma_wait3A_224] : memref<100000x128xf32, #tpu.memory_space<hbm>> -> memref<100000x128xf32, #tpu.memory_space<hbm>>
    tpu.wait_indirect_dma semaphore(%arg9 : memref<!tpu.dma_semaphore, #tpu.memory_space<semaphore_mem>>) src(%dma_wait3A_225 : memref<100000x128xf32, #tpu.memory_space<hbm>>) dst(%dma_wait3A_219 : memref<64x128xf32, #tpu.memory_space<vmem>>)
    %parallel_loop3A_226 = arith.constant 0 : i32
    %parallel_loop3A_227 = arith.constant 64 : i32
    %parallel_loop3A_228 = arith.constant 1 : i32
    scf.for %parallel_loop3A_340 = %parallel_loop3A_226 to %parallel_loop3A_227 step %parallel_loop3A_228  : i32 {
      %parallel_loop3A_341 = arith.index_cast %parallel_loop3A_340 : i32 to index
      %parallel_loop3A_342 = arith.constant 0 : index
      %parallel_loop3A_343 = tpu.vector_load %arg8[%parallel_loop3A_341, %parallel_loop3A_342] {strides = array<i32>} : memref<64x128xf32, #tpu.memory_space<vmem>>, vector<1x16xf32>,
      %parallel_loop3A_344 = vector.shape_cast %parallel_loop3A_343 : vector<1x16xf32> to vector<16xf32>
      %parallel_loop3A_345 = arith.constant 2 : i32
      %parallel_loop3A_346 = arith.index_cast %parallel_loop3A_345 : i32 to index
      %parallel_loop3A_347 = arith.index_cast %parallel_loop3A_340 : i32 to index
      %parallel_loop3A_348 = arith.constant 0 : index
      %parallel_loop3A_349 = tpu.vector_load %arg7[%parallel_loop3A_346, %parallel_loop3A_347, %parallel_loop3A_348] {strides = array<i32>} : memref<4x64x128xf32, #tpu.memory_space<vmem>>, vector<1x1x16xf32>,
      %parallel_loop3A_350 = vector.shape_cast %parallel_loop3A_349 : vector<1x1x16xf32> to vector<16xf32>
      %parallel_loop3A_351 = vector.shape_cast %parallel_loop3A_344 : vector<16xf32> to vector<1x1x16xf32>
      tpu.vector_store %arg7[%parallel_loop3A_346, %parallel_loop3A_347, %parallel_loop3A_348], %parallel_loop3A_351 {add = true, strides = array<i32>} : memref<4x64x128xf32, #tpu.memory_space<vmem>>, vector<1x1x16xf32>,
      %parallel_loop3A_352 = arith.index_cast %parallel_loop3A_340 : i32 to index
      %parallel_loop3A_353 = arith.constant 16 : index
      %parallel_loop3A_354 = tpu.vector_load %arg8[%parallel_loop3A_352, %parallel_loop3A_353] {strides = array<i32>} : memref<64x128xf32, #tpu.memory_space<vmem>>, vector<1x16xf32>,
      %parallel_loop3A_355 = vector.shape_cast %parallel_loop3A_354 : vector<1x16xf32> to vector<16xf32>
      %parallel_loop3A_356 = arith.constant 2 : i32
      %parallel_loop3A_357 = arith.index_cast %parallel_loop3A_356 : i32 to index
      %parallel_loop3A_358 = arith.index_cast %parallel_loop3A_340 : i32 to index
      %parallel_loop3A_359 = arith.constant 16 : index
      %parallel_loop3A_360 = tpu.vector_load %arg7[%parallel_loop3A_357, %parallel_loop3A_358, %parallel_loop3A_359] {strides = array<i32>} : memref<4x64x128xf32, #tpu.memory_space<vmem>>, vector<1x1x16xf32>,
      %parallel_loop3A_361 = vector.shape_cast %parallel_loop3A_360 : vector<1x1x16xf32> to vector<16xf32>
      %parallel_loop3A_362 = vector.shape_cast %parallel_loop3A_355 : vector<16xf32> to vector<1x1x16xf32>
      tpu.vector_store %arg7[%parallel_loop3A_357, %parallel_loop3A_358, %parallel_loop3A_359], %parallel_loop3A_362 {add = true, strides = array<i32>} : memref<4x64x128xf32, #tpu.memory_space<vmem>>, vector<1x1x16xf32>,
      %parallel_loop3A_363 = arith.index_cast %parallel_loop3A_340 : i32 to index
      %parallel_loop3A_364 = arith.constant 32 : index
      %parallel_loop3A_365 = tpu.vector_load %arg8[%parallel_loop3A_363, %parallel_loop3A_364] {strides = array<i32>} : memref<64x128xf32, #tpu.memory_space<vmem>>, vector<1x16xf32>,
      %parallel_loop3A_366 = vector.shape_cast %parallel_loop3A_365 : vector<1x16xf32> to vector<16xf32>
      %parallel_loop3A_367 = arith.constant 2 : i32
      %parallel_loop3A_368 = arith.index_cast %parallel_loop3A_367 : i32 to index
      %parallel_loop3A_369 = arith.index_cast %parallel_loop3A_340 : i32 to index
      %parallel_loop3A_370 = arith.constant 32 : index
      %parallel_loop3A_371 = tpu.vector_load %arg7[%parallel_loop3A_368, %parallel_loop3A_369, %parallel_loop3A_370] {strides = array<i32>} : memref<4x64x128xf32, #tpu.memory_space<vmem>>, vector<1x1x16xf32>,
      %parallel_loop3A_372 = vector.shape_cast %parallel_loop3A_371 : vector<1x1x16xf32> to vector<16xf32>
      %parallel_loop3A_373 = vector.shape_cast %parallel_loop3A_366 : vector<16xf32> to vector<1x1x16xf32>
      tpu.vector_store %arg7[%parallel_loop3A_368, %parallel_loop3A_369, %parallel_loop3A_370], %parallel_loop3A_373 {add = true, strides = array<i32>} : memref<4x64x128xf32, #tpu.memory_space<vmem>>, vector<1x1x16xf32>,
      %parallel_loop3A_374 = arith.index_cast %parallel_loop3A_340 : i32 to index
      %parallel_loop3A_375 = arith.constant 48 : index
      %parallel_loop3A_376 = tpu.vector_load %arg8[%parallel_loop3A_374, %parallel_loop3A_375] {strides = array<i32>} : memref<64x128xf32, #tpu.memory_space<vmem>>, vector<1x16xf32>,
      %parallel_loop3A_377 = vector.shape_cast %parallel_loop3A_376 : vector<1x16xf32> to vector<16xf32>
      %parallel_loop3A_378 = arith.constant 2 : i32
      %parallel_loop3A_379 = arith.index_cast %parallel_loop3A_378 : i32 to index
      %parallel_loop3A_380 = arith.index_cast %parallel_loop3A_340 : i32 to index
      %parallel_loop3A_381 = arith.constant 48 : index
      %parallel_loop3A_382 = tpu.vector_load %arg7[%parallel_loop3A_379, %parallel_loop3A_380, %parallel_loop3A_381] {strides = array<i32>} : memref<4x64x128xf32, #tpu.memory_space<vmem>>, vector<1x1x16xf32>,
      %parallel_loop3A_383 = vector.shape_cast %parallel_loop3A_382 : vector<1x1x16xf32> to vector<16xf32>
      %parallel_loop3A_384 = vector.shape_cast %parallel_loop3A_377 : vector<16xf32> to vector<1x1x16xf32>
      tpu.vector_store %arg7[%parallel_loop3A_379, %parallel_loop3A_380, %parallel_loop3A_381], %parallel_loop3A_384 {add = true, strides = array<i32>} : memref<4x64x128xf32, #tpu.memory_space<vmem>>, vector<1x1x16xf32>,
      %parallel_loop3A_385 = arith.index_cast %parallel_loop3A_340 : i32 to index
      %parallel_loop3A_386 = arith.constant 64 : index
      %parallel_loop3A_387 = tpu.vector_load %arg8[%parallel_loop3A_385, %parallel_loop3A_386] {strides = array<i32>} : memref<64x128xf32, #tpu.memory_space<vmem>>, vector<1x16xf32>,
      %parallel_loop3A_388 = vector.shape_cast %parallel_loop3A_387 : vector<1x16xf32> to vector<16xf32>
      %parallel_loop3A_389 = arith.constant 2 : i32
      %parallel_loop3A_390 = arith.index_cast %parallel_loop3A_389 : i32 to index
      %parallel_loop3A_391 = arith.index_cast %parallel_loop3A_340 : i32 to index
      %parallel_loop3A_392 = arith.constant 64 : index
      %parallel_loop3A_393 = tpu.vector_load %arg7[%parallel_loop3A_390, %parallel_loop3A_391, %parallel_loop3A_392] {strides = array<i32>} : memref<4x64x128xf32, #tpu.memory_space<vmem>>, vector<1x1x16xf32>,
      %parallel_loop3A_394 = vector.shape_cast %parallel_loop3A_393 : vector<1x1x16xf32> to vector<16xf32>
      %parallel_loop3A_395 = vector.shape_cast %parallel_loop3A_388 : vector<16xf32> to vector<1x1x16xf32>
      tpu.vector_store %arg7[%parallel_loop3A_390, %parallel_loop3A_391, %parallel_loop3A_392], %parallel_loop3A_395 {add = true, strides = array<i32>} : memref<4x64x128xf32, #tpu.memory_space<vmem>>, vector<1x1x16xf32>,
      %parallel_loop3A_396 = arith.index_cast %parallel_loop3A_340 : i32 to index
      %parallel_loop3A_397 = arith.constant 80 : index
      %parallel_loop3A_398 = tpu.vector_load %arg8[%parallel_loop3A_396, %parallel_loop3A_397] {strides = array<i32>} : memref<64x128xf32, #tpu.memory_space<vmem>>, vector<1x16xf32>,
      %parallel_loop3A_399 = vector.shape_cast %parallel_loop3A_398 : vector<1x16xf32> to vector<16xf32>
      %parallel_loop3A_400 = arith.constant 2 : i32
      %parallel_loop3A_401 = arith.index_cast %parallel_loop3A_400 : i32 to index
      %parallel_loop3A_402 = arith.index_cast %parallel_loop3A_340 : i32 to index
      %parallel_loop3A_403 = arith.constant 80 : index
      %parallel_loop3A_404 = tpu.vector_load %arg7[%parallel_loop3A_401, %parallel_loop3A_402, %parallel_loop3A_403] {strides = array<i32>} : memref<4x64x128xf32, #tpu.memory_space<vmem>>, vector<1x1x16xf32>,
      %parallel_loop3A_405 = vector.shape_cast %parallel_loop3A_404 : vector<1x1x16xf32> to vector<16xf32>
      %parallel_loop3A_406 = vector.shape_cast %parallel_loop3A_399 : vector<16xf32> to vector<1x1x16xf32>
      tpu.vector_store %arg7[%parallel_loop3A_401, %parallel_loop3A_402, %parallel_loop3A_403], %parallel_loop3A_406 {add = true, strides = array<i32>} : memref<4x64x128xf32, #tpu.memory_space<vmem>>, vector<1x1x16xf32>,
      %parallel_loop3A_407 = arith.index_cast %parallel_loop3A_340 : i32 to index
      %parallel_loop3A_408 = arith.constant 96 : index
      %parallel_loop3A_409 = tpu.vector_load %arg8[%parallel_loop3A_407, %parallel_loop3A_408] {strides = array<i32>} : memref<64x128xf32, #tpu.memory_space<vmem>>, vector<1x16xf32>,
      %parallel_loop3A_410 = vector.shape_cast %parallel_loop3A_409 : vector<1x16xf32> to vector<16xf32>
      %parallel_loop3A_411 = arith.constant 2 : i32
      %parallel_loop3A_412 = arith.index_cast %parallel_loop3A_411 : i32 to index
      %parallel_loop3A_413 = arith.index_cast %parallel_loop3A_340 : i32 to index
      %parallel_loop3A_414 = arith.constant 96 : index
      %parallel_loop3A_415 = tpu.vector_load %arg7[%parallel_loop3A_412, %parallel_loop3A_413, %parallel_loop3A_414] {strides = array<i32>} : memref<4x64x128xf32, #tpu.memory_space<vmem>>, vector<1x1x16xf32>,
      %parallel_loop3A_416 = vector.shape_cast %parallel_loop3A_415 : vector<1x1x16xf32> to vector<16xf32>
      %parallel_loop3A_417 = vector.shape_cast %parallel_loop3A_410 : vector<16xf32> to vector<1x1x16xf32>
      tpu.vector_store %arg7[%parallel_loop3A_412, %parallel_loop3A_413, %parallel_loop3A_414], %parallel_loop3A_417 {add = true, strides = array<i32>} : memref<4x64x128xf32, #tpu.memory_space<vmem>>, vector<1x1x16xf32>,
      %parallel_loop3A_418 = arith.index_cast %parallel_loop3A_340 : i32 to index
      %parallel_loop3A_419 = arith.constant 112 : index
      %parallel_loop3A_420 = tpu.vector_load %arg8[%parallel_loop3A_418, %parallel_loop3A_419] {strides = array<i32>} : memref<64x128xf32, #tpu.memory_space<vmem>>, vector<1x16xf32>,
      %parallel_loop3A_421 = vector.shape_cast %parallel_loop3A_420 : vector<1x16xf32> to vector<16xf32>
      %parallel_loop3A_422 = arith.constant 2 : i32
      %parallel_loop3A_423 = arith.index_cast %parallel_loop3A_422 : i32 to index
      %parallel_loop3A_424 = arith.index_cast %parallel_loop3A_340 : i32 to index
      %parallel_loop3A_425 = arith.constant 112 : index
      %parallel_loop3A_426 = tpu.vector_load %arg7[%parallel_loop3A_423, %parallel_loop3A_424, %parallel_loop3A_425] {strides = array<i32>} : memref<4x64x128xf32, #tpu.memory_space<vmem>>, vector<1x1x16xf32>,
      %parallel_loop3A_427 = vector.shape_cast %parallel_loop3A_426 : vector<1x1x16xf32> to vector<16xf32>
      %parallel_loop3A_428 = vector.shape_cast %parallel_loop3A_421 : vector<16xf32> to vector<1x1x16xf32>
      tpu.vector_store %arg7[%parallel_loop3A_423, %parallel_loop3A_424, %parallel_loop3A_425], %parallel_loop3A_428 {add = true, strides = array<i32>} : memref<4x64x128xf32, #tpu.memory_space<vmem>>, vector<1x1x16xf32>,
    } {sc.loop_unroll_factor = 1 : i64, sc.parallel_access}
    %dma_start3A_229 = arith.constant 2 : i32
    %dma_start3A_230 = arith.constant 2 : i32
    %dma_start3A_231 = arith.constant 0 : i32
    %dma_start3A_232 = arith.constant 0 : i32
    %dma_start3A_233 = tpu.memref_slice %arg7[%dma_start3A_229, %dma_start3A_231, %dma_start3A_232] : memref<4x64x128xf32, #tpu.memory_space<vmem>> -> memref<1x64x128xf32, #tpu.memory_space<vmem>>
    %dma_start3A_234 = tpu.memref_squeeze %dma_start3A_233 : memref<1x64x128xf32, #tpu.memory_space<vmem>> -> memref<64x128xf32, #tpu.memory_space<vmem>>
    %dma_start3A_235 = arith.constant 0 : i32
    %dma_start3A_236 = tpu.memref_slice %arg5[%dma_start3A_230, %mul3A_2, %dma_start3A_235] : memref<4x2048x128xf32, #tpu.memory_space<hbm>> -> memref<1x64x128xf32, #tpu.memory_space<hbm>>
    %dma_start3A_237 = tpu.memref_squeeze %dma_start3A_236 : memref<1x64x128xf32, #tpu.memory_space<hbm>> -> memref<64x128xf32, #tpu.memory_space<hbm>>
    %dma_start3A_238 = arith.constant 0 : i32
    %dma_start3A_239 = tpu.memref_slice %arg5[%dma_start3A_230, %mul3A_2, %dma_start3A_238] : memref<4x2048x128xf32, #tpu.memory_space<hbm>> -> memref<1x64x128xf32, #tpu.memory_space<hbm>>
    %dma_start3A_240 = tpu.memref_squeeze %dma_start3A_239 : memref<1x64x128xf32, #tpu.memory_space<hbm>> -> memref<64x128xf32, #tpu.memory_space<hbm>>
    %dma_start3A_241 = arith.constant 0 : i32
    %dma_start3A_242 = arith.constant 0 : i32
    %dma_start3A_243 = tpu.memref_slice %arg7[%dma_start3A_229, %dma_start3A_241, %dma_start3A_242] : memref<4x64x128xf32, #tpu.memory_space<vmem>> -> memref<1x64x128xf32, #tpu.memory_space<vmem>>
    %dma_start3A_244 = tpu.memref_squeeze %dma_start3A_243 : memref<1x64x128xf32, #tpu.memory_space<vmem>> -> memref<64x128xf32, #tpu.memory_space<vmem>>
    tpu.enqueue_dma source(%dma_start3A_244 : memref<64x128xf32, #tpu.memory_space<vmem>>) target(%dma_start3A_240 : memref<64x128xf32, #tpu.memory_space<hbm>>) target_semaphore(%arg11 : memref<!tpu.dma_semaphore, #tpu.memory_space<semaphore_mem>>)
    %dma_wait3A_245 = arith.constant 3 : i32
    %dma_wait3A_246 = arith.constant 3 : i32
    %dma_wait3A_247 = arith.constant 0 : i32
    %dma_wait3A_248 = arith.constant 0 : i32
    %dma_wait3A_249 = tpu.memref_slice %arg7[%dma_wait3A_246, %dma_wait3A_247, %dma_wait3A_248] : memref<4x64x128xf32, #tpu.memory_space<vmem>> -> memref<1x64x128xf32, #tpu.memory_space<vmem>>
    %dma_wait3A_250 = tpu.memref_squeeze %dma_wait3A_249 : memref<1x64x128xf32, #tpu.memory_space<vmem>> -> memref<64x128xf32, #tpu.memory_space<vmem>>
    %dma_wait3A_251 = arith.constant 0 : i32
    %dma_wait3A_252 = tpu.memref_slice %arg6[%dma_wait3A_245, %dma_wait3A_251] : memref<4x64xi32, #tpu.memory_space<vmem>> -> memref<1x64xi32, #tpu.memory_space<vmem>>
    %dma_wait3A_253 = tpu.memref_squeeze %dma_wait3A_252 : memref<1x64xi32, #tpu.memory_space<vmem>> -> memref<64xi32, #tpu.memory_space<vmem>>
    %dma_wait3A_254 = arith.constant 0 : i32
    %dma_wait3A_255 = arith.constant 0 : i32
    %dma_wait3A_256 = tpu.memref_slice %arg3[%dma_wait3A_254, %dma_wait3A_255] : memref<100000x128xf32, #tpu.memory_space<hbm>> -> memref<100000x128xf32, #tpu.memory_space<hbm>>
    tpu.wait_indirect_dma semaphore(%arg9 : memref<!tpu.dma_semaphore, #tpu.memory_space<semaphore_mem>>) src(%dma_wait3A_256 : memref<100000x128xf32, #tpu.memory_space<hbm>>) dst(%dma_wait3A_250 : memref<64x128xf32, #tpu.memory_space<vmem>>)
    %parallel_loop3A_257 = arith.constant 0 : i32
    %parallel_loop3A_258 = arith.constant 64 : i32
    %parallel_loop3A_259 = arith.constant 1 : i32
    scf.for %parallel_loop3A_340 = %parallel_loop3A_257 to %parallel_loop3A_258 step %parallel_loop3A_259  : i32 {
      %parallel_loop3A_341 = arith.index_cast %parallel_loop3A_340 : i32 to index
      %parallel_loop3A_342 = arith.constant 0 : index
      %parallel_loop3A_343 = tpu.vector_load %arg8[%parallel_loop3A_341, %parallel_loop3A_342] {strides = array<i32>} : memref<64x128xf32, #tpu.memory_space<vmem>>, vector<1x16xf32>,
      %parallel_loop3A_344 = vector.shape_cast %parallel_loop3A_343 : vector<1x16xf32> to vector<16xf32>
      %parallel_loop3A_345 = arith.constant 3 : i32
      %parallel_loop3A_346 = arith.index_cast %parallel_loop3A_345 : i32 to index
      %parallel_loop3A_347 = arith.index_cast %parallel_loop3A_340 : i32 to index
      %parallel_loop3A_348 = arith.constant 0 : index
      %parallel_loop3A_349 = tpu.vector_load %arg7[%parallel_loop3A_346, %parallel_loop3A_347, %parallel_loop3A_348] {strides = array<i32>} : memref<4x64x128xf32, #tpu.memory_space<vmem>>, vector<1x1x16xf32>,
      %parallel_loop3A_350 = vector.shape_cast %parallel_loop3A_349 : vector<1x1x16xf32> to vector<16xf32>
      %parallel_loop3A_351 = vector.shape_cast %parallel_loop3A_344 : vector<16xf32> to vector<1x1x16xf32>
      tpu.vector_store %arg7[%parallel_loop3A_346, %parallel_loop3A_347, %parallel_loop3A_348], %parallel_loop3A_351 {add = true, strides = array<i32>} : memref<4x64x128xf32, #tpu.memory_space<vmem>>, vector<1x1x16xf32>,
      %parallel_loop3A_352 = arith.index_cast %parallel_loop3A_340 : i32 to index
      %parallel_loop3A_353 = arith.constant 16 : index
      %parallel_loop3A_354 = tpu.vector_load %arg8[%parallel_loop3A_352, %parallel_loop3A_353] {strides = array<i32>} : memref<64x128xf32, #tpu.memory_space<vmem>>, vector<1x16xf32>,
      %parallel_loop3A_355 = vector.shape_cast %parallel_loop3A_354 : vector<1x16xf32> to vector<16xf32>
      %parallel_loop3A_356 = arith.constant 3 : i32
      %parallel_loop3A_357 = arith.index_cast %parallel_loop3A_356 : i32 to index
      %parallel_loop3A_358 = arith.index_cast %parallel_loop3A_340 : i32 to index
      %parallel_loop3A_359 = arith.constant 16 : index
      %parallel_loop3A_360 = tpu.vector_load %arg7[%parallel_loop3A_357, %parallel_loop3A_358, %parallel_loop3A_359] {strides = array<i32>} : memref<4x64x128xf32, #tpu.memory_space<vmem>>, vector<1x1x16xf32>,
      %parallel_loop3A_361 = vector.shape_cast %parallel_loop3A_360 : vector<1x1x16xf32> to vector<16xf32>
      %parallel_loop3A_362 = vector.shape_cast %parallel_loop3A_355 : vector<16xf32> to vector<1x1x16xf32>
      tpu.vector_store %arg7[%parallel_loop3A_357, %parallel_loop3A_358, %parallel_loop3A_359], %parallel_loop3A_362 {add = true, strides = array<i32>} : memref<4x64x128xf32, #tpu.memory_space<vmem>>, vector<1x1x16xf32>,
      %parallel_loop3A_363 = arith.index_cast %parallel_loop3A_340 : i32 to index
      %parallel_loop3A_364 = arith.constant 32 : index
      %parallel_loop3A_365 = tpu.vector_load %arg8[%parallel_loop3A_363, %parallel_loop3A_364] {strides = array<i32>} : memref<64x128xf32, #tpu.memory_space<vmem>>, vector<1x16xf32>,
      %parallel_loop3A_366 = vector.shape_cast %parallel_loop3A_365 : vector<1x16xf32> to vector<16xf32>
      %parallel_loop3A_367 = arith.constant 3 : i32
      %parallel_loop3A_368 = arith.index_cast %parallel_loop3A_367 : i32 to index
      %parallel_loop3A_369 = arith.index_cast %parallel_loop3A_340 : i32 to index
      %parallel_loop3A_370 = arith.constant 32 : index
      %parallel_loop3A_371 = tpu.vector_load %arg7[%parallel_loop3A_368, %parallel_loop3A_369, %parallel_loop3A_370] {strides = array<i32>} : memref<4x64x128xf32, #tpu.memory_space<vmem>>, vector<1x1x16xf32>,
      %parallel_loop3A_372 = vector.shape_cast %parallel_loop3A_371 : vector<1x1x16xf32> to vector<16xf32>
      %parallel_loop3A_373 = vector.shape_cast %parallel_loop3A_366 : vector<16xf32> to vector<1x1x16xf32>
      tpu.vector_store %arg7[%parallel_loop3A_368, %parallel_loop3A_369, %parallel_loop3A_370], %parallel_loop3A_373 {add = true, strides = array<i32>} : memref<4x64x128xf32, #tpu.memory_space<vmem>>, vector<1x1x16xf32>,
      %parallel_loop3A_374 = arith.index_cast %parallel_loop3A_340 : i32 to index
      %parallel_loop3A_375 = arith.constant 48 : index
      %parallel_loop3A_376 = tpu.vector_load %arg8[%parallel_loop3A_374, %parallel_loop3A_375] {strides = array<i32>} : memref<64x128xf32, #tpu.memory_space<vmem>>, vector<1x16xf32>,
      %parallel_loop3A_377 = vector.shape_cast %parallel_loop3A_376 : vector<1x16xf32> to vector<16xf32>
      %parallel_loop3A_378 = arith.constant 3 : i32
      %parallel_loop3A_379 = arith.index_cast %parallel_loop3A_378 : i32 to index
      %parallel_loop3A_380 = arith.index_cast %parallel_loop3A_340 : i32 to index
      %parallel_loop3A_381 = arith.constant 48 : index
      %parallel_loop3A_382 = tpu.vector_load %arg7[%parallel_loop3A_379, %parallel_loop3A_380, %parallel_loop3A_381] {strides = array<i32>} : memref<4x64x128xf32, #tpu.memory_space<vmem>>, vector<1x1x16xf32>,
      %parallel_loop3A_383 = vector.shape_cast %parallel_loop3A_382 : vector<1x1x16xf32> to vector<16xf32>
      %parallel_loop3A_384 = vector.shape_cast %parallel_loop3A_377 : vector<16xf32> to vector<1x1x16xf32>
      tpu.vector_store %arg7[%parallel_loop3A_379, %parallel_loop3A_380, %parallel_loop3A_381], %parallel_loop3A_384 {add = true, strides = array<i32>} : memref<4x64x128xf32, #tpu.memory_space<vmem>>, vector<1x1x16xf32>,
      %parallel_loop3A_385 = arith.index_cast %parallel_loop3A_340 : i32 to index
      %parallel_loop3A_386 = arith.constant 64 : index
      %parallel_loop3A_387 = tpu.vector_load %arg8[%parallel_loop3A_385, %parallel_loop3A_386] {strides = array<i32>} : memref<64x128xf32, #tpu.memory_space<vmem>>, vector<1x16xf32>,
      %parallel_loop3A_388 = vector.shape_cast %parallel_loop3A_387 : vector<1x16xf32> to vector<16xf32>
      %parallel_loop3A_389 = arith.constant 3 : i32
      %parallel_loop3A_390 = arith.index_cast %parallel_loop3A_389 : i32 to index
      %parallel_loop3A_391 = arith.index_cast %parallel_loop3A_340 : i32 to index
      %parallel_loop3A_392 = arith.constant 64 : index
      %parallel_loop3A_393 = tpu.vector_load %arg7[%parallel_loop3A_390, %parallel_loop3A_391, %parallel_loop3A_392] {strides = array<i32>} : memref<4x64x128xf32, #tpu.memory_space<vmem>>, vector<1x1x16xf32>,
      %parallel_loop3A_394 = vector.shape_cast %parallel_loop3A_393 : vector<1x1x16xf32> to vector<16xf32>
      %parallel_loop3A_395 = vector.shape_cast %parallel_loop3A_388 : vector<16xf32> to vector<1x1x16xf32>
      tpu.vector_store %arg7[%parallel_loop3A_390, %parallel_loop3A_391, %parallel_loop3A_392], %parallel_loop3A_395 {add = true, strides = array<i32>} : memref<4x64x128xf32, #tpu.memory_space<vmem>>, vector<1x1x16xf32>,
      %parallel_loop3A_396 = arith.index_cast %parallel_loop3A_340 : i32 to index
      %parallel_loop3A_397 = arith.constant 80 : index
      %parallel_loop3A_398 = tpu.vector_load %arg8[%parallel_loop3A_396, %parallel_loop3A_397] {strides = array<i32>} : memref<64x128xf32, #tpu.memory_space<vmem>>, vector<1x16xf32>,
      %parallel_loop3A_399 = vector.shape_cast %parallel_loop3A_398 : vector<1x16xf32> to vector<16xf32>
      %parallel_loop3A_400 = arith.constant 3 : i32
      %parallel_loop3A_401 = arith.index_cast %parallel_loop3A_400 : i32 to index
      %parallel_loop3A_402 = arith.index_cast %parallel_loop3A_340 : i32 to index
      %parallel_loop3A_403 = arith.constant 80 : index
      %parallel_loop3A_404 = tpu.vector_load %arg7[%parallel_loop3A_401, %parallel_loop3A_402, %parallel_loop3A_403] {strides = array<i32>} : memref<4x64x128xf32, #tpu.memory_space<vmem>>, vector<1x1x16xf32>,
      %parallel_loop3A_405 = vector.shape_cast %parallel_loop3A_404 : vector<1x1x16xf32> to vector<16xf32>
      %parallel_loop3A_406 = vector.shape_cast %parallel_loop3A_399 : vector<16xf32> to vector<1x1x16xf32>
      tpu.vector_store %arg7[%parallel_loop3A_401, %parallel_loop3A_402, %parallel_loop3A_403], %parallel_loop3A_406 {add = true, strides = array<i32>} : memref<4x64x128xf32, #tpu.memory_space<vmem>>, vector<1x1x16xf32>,
      %parallel_loop3A_407 = arith.index_cast %parallel_loop3A_340 : i32 to index
      %parallel_loop3A_408 = arith.constant 96 : index
      %parallel_loop3A_409 = tpu.vector_load %arg8[%parallel_loop3A_407, %parallel_loop3A_408] {strides = array<i32>} : memref<64x128xf32, #tpu.memory_space<vmem>>, vector<1x16xf32>,
      %parallel_loop3A_410 = vector.shape_cast %parallel_loop3A_409 : vector<1x16xf32> to vector<16xf32>
      %parallel_loop3A_411 = arith.constant 3 : i32
      %parallel_loop3A_412 = arith.index_cast %parallel_loop3A_411 : i32 to index
      %parallel_loop3A_413 = arith.index_cast %parallel_loop3A_340 : i32 to index
      %parallel_loop3A_414 = arith.constant 96 : index
      %parallel_loop3A_415 = tpu.vector_load %arg7[%parallel_loop3A_412, %parallel_loop3A_413, %parallel_loop3A_414] {strides = array<i32>} : memref<4x64x128xf32, #tpu.memory_space<vmem>>, vector<1x1x16xf32>,
      %parallel_loop3A_416 = vector.shape_cast %parallel_loop3A_415 : vector<1x1x16xf32> to vector<16xf32>
      %parallel_loop3A_417 = vector.shape_cast %parallel_loop3A_410 : vector<16xf32> to vector<1x1x16xf32>
      tpu.vector_store %arg7[%parallel_loop3A_412, %parallel_loop3A_413, %parallel_loop3A_414], %parallel_loop3A_417 {add = true, strides = array<i32>} : memref<4x64x128xf32, #tpu.memory_space<vmem>>, vector<1x1x16xf32>,
      %parallel_loop3A_418 = arith.index_cast %parallel_loop3A_340 : i32 to index
      %parallel_loop3A_419 = arith.constant 112 : index
      %parallel_loop3A_420 = tpu.vector_load %arg8[%parallel_loop3A_418, %parallel_loop3A_419] {strides = array<i32>} : memref<64x128xf32, #tpu.memory_space<vmem>>, vector<1x16xf32>,
      %parallel_loop3A_421 = vector.shape_cast %parallel_loop3A_420 : vector<1x16xf32> to vector<16xf32>
      %parallel_loop3A_422 = arith.constant 3 : i32
      %parallel_loop3A_423 = arith.index_cast %parallel_loop3A_422 : i32 to index
      %parallel_loop3A_424 = arith.index_cast %parallel_loop3A_340 : i32 to index
      %parallel_loop3A_425 = arith.constant 112 : index
      %parallel_loop3A_426 = tpu.vector_load %arg7[%parallel_loop3A_423, %parallel_loop3A_424, %parallel_loop3A_425] {strides = array<i32>} : memref<4x64x128xf32, #tpu.memory_space<vmem>>, vector<1x1x16xf32>,
      %parallel_loop3A_427 = vector.shape_cast %parallel_loop3A_426 : vector<1x1x16xf32> to vector<16xf32>
      %parallel_loop3A_428 = vector.shape_cast %parallel_loop3A_421 : vector<16xf32> to vector<1x1x16xf32>
      tpu.vector_store %arg7[%parallel_loop3A_423, %parallel_loop3A_424, %parallel_loop3A_425], %parallel_loop3A_428 {add = true, strides = array<i32>} : memref<4x64x128xf32, #tpu.memory_space<vmem>>, vector<1x1x16xf32>,
    } {sc.loop_unroll_factor = 1 : i64, sc.parallel_access}
    %dma_start3A_260 = arith.constant 3 : i32
    %dma_start3A_261 = arith.constant 3 : i32
    %dma_start3A_262 = arith.constant 0 : i32
    %dma_start3A_263 = arith.constant 0 : i32
    %dma_start3A_264 = tpu.memref_slice %arg7[%dma_start3A_260, %dma_start3A_262, %dma_start3A_263] : memref<4x64x128xf32, #tpu.memory_space<vmem>> -> memref<1x64x128xf32, #tpu.memory_space<vmem>>
    %dma_start3A_265 = tpu.memref_squeeze %dma_start3A_264 : memref<1x64x128xf32, #tpu.memory_space<vmem>> -> memref<64x128xf32, #tpu.memory_space<vmem>>
    %dma_start3A_266 = arith.constant 0 : i32
    %dma_start3A_267 = tpu.memref_slice %arg5[%dma_start3A_261, %mul3A_2, %dma_start3A_266] : memref<4x2048x128xf32, #tpu.memory_space<hbm>> -> memref<1x64x128xf32, #tpu.memory_space<hbm>>
    %dma_start3A_268 = tpu.memref_squeeze %dma_start3A_267 : memref<1x64x128xf32, #tpu.memory_space<hbm>> -> memref<64x128xf32, #tpu.memory_space<hbm>>
    %dma_start3A_269 = arith.constant 0 : i32
    %dma_start3A_270 = tpu.memref_slice %arg5[%dma_start3A_261, %mul3A_2, %dma_start3A_269] : memref<4x2048x128xf32, #tpu.memory_space<hbm>> -> memref<1x64x128xf32, #tpu.memory_space<hbm>>
    %dma_start3A_271 = tpu.memref_squeeze %dma_start3A_270 : memref<1x64x128xf32, #tpu.memory_space<hbm>> -> memref<64x128xf32, #tpu.memory_space<hbm>>
    %dma_start3A_272 = arith.constant 0 : i32
    %dma_start3A_273 = arith.constant 0 : i32
    %dma_start3A_274 = tpu.memref_slice %arg7[%dma_start3A_260, %dma_start3A_272, %dma_start3A_273] : memref<4x64x128xf32, #tpu.memory_space<vmem>> -> memref<1x64x128xf32, #tpu.memory_space<vmem>>
    %dma_start3A_275 = tpu.memref_squeeze %dma_start3A_274 : memref<1x64x128xf32, #tpu.memory_space<vmem>> -> memref<64x128xf32, #tpu.memory_space<vmem>>
    tpu.enqueue_dma source(%dma_start3A_275 : memref<64x128xf32, #tpu.memory_space<vmem>>) target(%dma_start3A_271 : memref<64x128xf32, #tpu.memory_space<hbm>>) target_semaphore(%arg11 : memref<!tpu.dma_semaphore, #tpu.memory_space<semaphore_mem>>)
    %dma_wait3A_276 = arith.constant 0 : i32
    %dma_wait3A_277 = arith.constant 0 : i32
    %dma_wait3A_278 = arith.constant 0 : i32
    %dma_wait3A_279 = arith.constant 0 : i32
    %dma_wait3A_280 = tpu.memref_slice %arg7[%dma_wait3A_276, %dma_wait3A_278, %dma_wait3A_279] : memref<4x64x128xf32, #tpu.memory_space<vmem>> -> memref<1x64x128xf32, #tpu.memory_space<vmem>>
    %dma_wait3A_281 = tpu.memref_squeeze %dma_wait3A_280 : memref<1x64x128xf32, #tpu.memory_space<vmem>> -> memref<64x128xf32, #tpu.memory_space<vmem>>
    %dma_wait3A_282 = arith.constant 0 : i32
    %dma_wait3A_283 = tpu.memref_slice %arg5[%dma_wait3A_277, %mul3A_2, %dma_wait3A_282] : memref<4x2048x128xf32, #tpu.memory_space<hbm>> -> memref<1x64x128xf32, #tpu.memory_space<hbm>>
    %dma_wait3A_284 = tpu.memref_squeeze %dma_wait3A_283 : memref<1x64x128xf32, #tpu.memory_space<hbm>> -> memref<64x128xf32, #tpu.memory_space<hbm>>
    %dma_wait3A_285 = arith.constant 0 : i32
    %dma_wait3A_286 = tpu.memref_slice %arg5[%dma_wait3A_277, %mul3A_2, %dma_wait3A_285] : memref<4x2048x128xf32, #tpu.memory_space<hbm>> -> memref<1x64x128xf32, #tpu.memory_space<hbm>>
    %dma_wait3A_287 = tpu.memref_squeeze %dma_wait3A_286 : memref<1x64x128xf32, #tpu.memory_space<hbm>> -> memref<64x128xf32, #tpu.memory_space<hbm>>
    %dma_wait3A_288 = arith.constant 0 : i32
    %dma_wait3A_289 = arith.constant 0 : i32
    %dma_wait3A_290 = tpu.memref_slice %arg7[%dma_wait3A_276, %dma_wait3A_288, %dma_wait3A_289] : memref<4x64x128xf32, #tpu.memory_space<vmem>> -> memref<1x64x128xf32, #tpu.memory_space<vmem>>
    %dma_wait3A_291 = tpu.memref_squeeze %dma_wait3A_290 : memref<1x64x128xf32, #tpu.memory_space<vmem>> -> memref<64x128xf32, #tpu.memory_space<vmem>>
    tpu.wait_dma2 semaphore(%arg11 : memref<!tpu.dma_semaphore, #tpu.memory_space<semaphore_mem>>) src(%dma_wait3A_291 : memref<64x128xf32, #tpu.memory_space<vmem>>) dst(%dma_wait3A_287 : memref<64x128xf32, #tpu.memory_space<hbm>>)
    %dma_wait3A_292 = arith.constant 1 : i32
    %dma_wait3A_293 = arith.constant 1 : i32
    %dma_wait3A_294 = arith.constant 0 : i32
    %dma_wait3A_295 = arith.constant 0 : i32
    %dma_wait3A_296 = tpu.memref_slice %arg7[%dma_wait3A_292, %dma_wait3A_294, %dma_wait3A_295] : memref<4x64x128xf32, #tpu.memory_space<vmem>> -> memref<1x64x128xf32, #tpu.memory_space<vmem>>
    %dma_wait3A_297 = tpu.memref_squeeze %dma_wait3A_296 : memref<1x64x128xf32, #tpu.memory_space<vmem>> -> memref<64x128xf32, #tpu.memory_space<vmem>>
    %dma_wait3A_298 = arith.constant 0 : i32
    %dma_wait3A_299 = tpu.memref_slice %arg5[%dma_wait3A_293, %mul3A_2, %dma_wait3A_298] : memref<4x2048x128xf32, #tpu.memory_space<hbm>> -> memref<1x64x128xf32, #tpu.memory_space<hbm>>
    %dma_wait3A_300 = tpu.memref_squeeze %dma_wait3A_299 : memref<1x64x128xf32, #tpu.memory_space<hbm>> -> memref<64x128xf32, #tpu.memory_space<hbm>>
    %dma_wait3A_301 = arith.constant 0 : i32
    %dma_wait3A_302 = tpu.memref_slice %arg5[%dma_wait3A_293, %mul3A_2, %dma_wait3A_301] : memref<4x2048x128xf32, #tpu.memory_space<hbm>> -> memref<1x64x128xf32, #tpu.memory_space<hbm>>
    %dma_wait3A_303 = tpu.memref_squeeze %dma_wait3A_302 : memref<1x64x128xf32, #tpu.memory_space<hbm>> -> memref<64x128xf32, #tpu.memory_space<hbm>>
    %dma_wait3A_304 = arith.constant 0 : i32
    %dma_wait3A_305 = arith.constant 0 : i32
    %dma_wait3A_306 = tpu.memref_slice %arg7[%dma_wait3A_292, %dma_wait3A_304, %dma_wait3A_305] : memref<4x64x128xf32, #tpu.memory_space<vmem>> -> memref<1x64x128xf32, #tpu.memory_space<vmem>>
    %dma_wait3A_307 = tpu.memref_squeeze %dma_wait3A_306 : memref<1x64x128xf32, #tpu.memory_space<vmem>> -> memref<64x128xf32, #tpu.memory_space<vmem>>
    tpu.wait_dma2 semaphore(%arg11 : memref<!tpu.dma_semaphore, #tpu.memory_space<semaphore_mem>>) src(%dma_wait3A_307 : memref<64x128xf32, #tpu.memory_space<vmem>>) dst(%dma_wait3A_303 : memref<64x128xf32, #tpu.memory_space<hbm>>)
    %dma_wait3A_308 = arith.constant 2 : i32
    %dma_wait3A_309 = arith.constant 2 : i32
    %dma_wait3A_310 = arith.constant 0 : i32
    %dma_wait3A_311 = arith.constant 0 : i32
    %dma_wait3A_312 = tpu.memref_slice %arg7[%dma_wait3A_308, %dma_wait3A_310, %dma_wait3A_311] : memref<4x64x128xf32, #tpu.memory_space<vmem>> -> memref<1x64x128xf32, #tpu.memory_space<vmem>>
    %dma_wait3A_313 = tpu.memref_squeeze %dma_wait3A_312 : memref<1x64x128xf32, #tpu.memory_space<vmem>> -> memref<64x128xf32, #tpu.memory_space<vmem>>
    %dma_wait3A_314 = arith.constant 0 : i32
    %dma_wait3A_315 = tpu.memref_slice %arg5[%dma_wait3A_309, %mul3A_2, %dma_wait3A_314] : memref<4x2048x128xf32, #tpu.memory_space<hbm>> -> memref<1x64x128xf32, #tpu.memory_space<hbm>>
    %dma_wait3A_316 = tpu.memref_squeeze %dma_wait3A_315 : memref<1x64x128xf32, #tpu.memory_space<hbm>> -> memref<64x128xf32, #tpu.memory_space<hbm>>
    %dma_wait3A_317 = arith.constant 0 : i32
    %dma_wait3A_318 = tpu.memref_slice %arg5[%dma_wait3A_309, %mul3A_2, %dma_wait3A_317] : memref<4x2048x128xf32, #tpu.memory_space<hbm>> -> memref<1x64x128xf32, #tpu.memory_space<hbm>>
    %dma_wait3A_319 = tpu.memref_squeeze %dma_wait3A_318 : memref<1x64x128xf32, #tpu.memory_space<hbm>> -> memref<64x128xf32, #tpu.memory_space<hbm>>
    %dma_wait3A_320 = arith.constant 0 : i32
    %dma_wait3A_321 = arith.constant 0 : i32
    %dma_wait3A_322 = tpu.memref_slice %arg7[%dma_wait3A_308, %dma_wait3A_320, %dma_wait3A_321] : memref<4x64x128xf32, #tpu.memory_space<vmem>> -> memref<1x64x128xf32, #tpu.memory_space<vmem>>
    %dma_wait3A_323 = tpu.memref_squeeze %dma_wait3A_322 : memref<1x64x128xf32, #tpu.memory_space<vmem>> -> memref<64x128xf32, #tpu.memory_space<vmem>>
    tpu.wait_dma2 semaphore(%arg11 : memref<!tpu.dma_semaphore, #tpu.memory_space<semaphore_mem>>) src(%dma_wait3A_323 : memref<64x128xf32, #tpu.memory_space<vmem>>) dst(%dma_wait3A_319 : memref<64x128xf32, #tpu.memory_space<hbm>>)
    %dma_wait3A_324 = arith.constant 3 : i32
    %dma_wait3A_325 = arith.constant 3 : i32
    %dma_wait3A_326 = arith.constant 0 : i32
    %dma_wait3A_327 = arith.constant 0 : i32
    %dma_wait3A_328 = tpu.memref_slice %arg7[%dma_wait3A_324, %dma_wait3A_326, %dma_wait3A_327] : memref<4x64x128xf32, #tpu.memory_space<vmem>> -> memref<1x64x128xf32, #tpu.memory_space<vmem>>
    %dma_wait3A_329 = tpu.memref_squeeze %dma_wait3A_328 : memref<1x64x128xf32, #tpu.memory_space<vmem>> -> memref<64x128xf32, #tpu.memory_space<vmem>>
    %dma_wait3A_330 = arith.constant 0 : i32
    %dma_wait3A_331 = tpu.memref_slice %arg5[%dma_wait3A_325, %mul3A_2, %dma_wait3A_330] : memref<4x2048x128xf32, #tpu.memory_space<hbm>> -> memref<1x64x128xf32, #tpu.memory_space<hbm>>
    %dma_wait3A_332 = tpu.memref_squeeze %dma_wait3A_331 : memref<1x64x128xf32, #tpu.memory_space<hbm>> -> memref<64x128xf32, #tpu.memory_space<hbm>>
    %dma_wait3A_333 = arith.constant 0 : i32
    %dma_wait3A_334 = tpu.memref_slice %arg5[%dma_wait3A_325, %mul3A_2, %dma_wait3A_333] : memref<4x2048x128xf32, #tpu.memory_space<hbm>> -> memref<1x64x128xf32, #tpu.memory_space<hbm>>
    %dma_wait3A_335 = tpu.memref_squeeze %dma_wait3A_334 : memref<1x64x128xf32, #tpu.memory_space<hbm>> -> memref<64x128xf32, #tpu.memory_space<hbm>>
    %dma_wait3A_336 = arith.constant 0 : i32
    %dma_wait3A_337 = arith.constant 0 : i32
    %dma_wait3A_338 = tpu.memref_slice %arg7[%dma_wait3A_324, %dma_wait3A_336, %dma_wait3A_337] : memref<4x64x128xf32, #tpu.memory_space<vmem>> -> memref<1x64x128xf32, #tpu.memory_space<vmem>>
    %dma_wait3A_339 = tpu.memref_squeeze %dma_wait3A_338 : memref<1x64x128xf32, #tpu.memory_space<vmem>> -> memref<64x128xf32, #tpu.memory_space<vmem>>
    tpu.wait_dma2 semaphore(%arg11 : memref<!tpu.dma_semaphore, #tpu.memory_space<semaphore_mem>>) src(%dma_wait3A_339 : memref<64x128xf32, #tpu.memory_space<vmem>>) dst(%dma_wait3A_335 : memref<64x128xf32, #tpu.memory_space<hbm>>)
    return
  }
}

</mosaic_0001>

<sc_bundles>
// kernel: kernel.3.cloned.1.call-start
scs
__scs_entry_jumppad:
0x0: {  	(pc) =	sbr.rel $0x88, $3  }
0x1: {  	(tag) =	ssettag $0x0;
	lr =	simm.s32 $0x1  }
0x2: {  	[smem:$0x3F9E] =	sst lr;
	_ =	strace $0xD0000000  }
0x3: {  	_ = 	snop  }
0x4: {  	_ = 	snop  }
0x5: {  	_ = 	snop  }
0x6: {  	_ = 	snop  }
0x7: {  	_ = 	snop  }
__scs_overlays_trampoline_lowered:
0x8: {  	[smem:$0x3FAD] =	sst s0  }
0x9: {  	[smem:$0x3FAE] =	sst s1  }
0xa: {  	[smem:$0x3FAF] =	sst s2  }
0xb: {  	[smem:$0x3FB0] =	sst s3  }
0xc: {  	[smem:$0x3FB1] =	sst s4  }
0xd: {  	[smem:$0x3FB2] =	sst s5  }
0xe: {  	[smem:$0x3FB3] =	sst s6  }
0xf: {  	[smem:$0x3FB4] =	sst s7  }
0x10: {  	[smem:$0x3FB5] =	sst s8  }
0x11: {  	[smem:$0x3FB6] =	sst s9;
	s0 =	simm.s32 @!p0 $0x0  }
0x12: {  	s1 =	sld [smem:$0x3F9C];
	s0 =	simm.s32 @p0 $0x1  }
0x13: {  	[smem:$0x3FB7] =	sst s0;
	s0 =	simm.s32 @!p1 $0x0  }
0x14: {  	s2 =	sld [smem:$0x3F9B];
	s0 =	simm.s32 @p1 $0x1  }
0x15: {  	[smem:$0x3FB8] =	sst s0;
	s0 =	simm.s32 @!p2 $0x0  }
0x16: {  	s3 =	sld [smem:$0x3FDB];
	s0 =	simm.s32 @p2 $0x1  }
0x17: {  	s4 =	simm.s32 $0x1BF5;
	[smem:$0x3FBA] =	sst s0  }
0x18: {  	s0 =	sld [smem:$0x3F9D];
	_ =	swait.ge [sflag:s4], $0x0  }
0x19: {  	s7 =	sld [smem:$0x3F9E]  }
0x1a: {  	s8 =	sadd.s32 $0xFFFFE003, lr  }
0x1b: {  	s9 =	sadd.s32 $0xFFFFFEF7, lr;
	s5 =	simm.s32 $0xFFFFFFFF;
	p2 =	slt.u32 s8, $0xFFFFF086  }
0x1c: {  	p1 =	slt.u32 s9, $0xF7A;
	s5 =	simm.s32 @!p2 $0x0  }
0x1d: {  	s5 =	simm.s32 @p1 $0x1;
	p0 =	seq.s32 s7, s2  }
0x1e: {  	s7 =	smul.u32 @!p0 $0xF7A, s2;
	p2 =	seq.s32 @!p0 s5, $0x0  }
0x1f: {  	s9 =	smul.u32 $0xF7A, s1;
	s8 =	simm.s32 @!p0 $0x1BF5;
	p2 =	por !p2, p0  }
0x20: {  	[sflag:s8] =	ssyncset.s32 @!p0 $0xFFFFF086;
	s6 =	sadd.s32 @!p0 s3, s7;
	s7 =	simm.s32 @!p0 $0x108  }
0x21: {  	s3 =	sadd.s32 s3, s9;
	s6 =	sadd.s32 @!p0 $0x88, s6;
	s7 =	simm.s32 @p2 $0x1082  }
0x22: {  	[simem:s7], [sflag:s8] =	dma.local @!p0 [hbm:s6], $0xF7A  }
0x23: {  	s9 =	sor.u32 $0xD0000000, s2;
	s6 =	simm.s32 $0x108;
	_ =	swait.ge @!p0 [sflag:s8], $0x0  }
0x24: {  	s3 =	sadd.s32 $0x88, s3;
	s6 =	simm.s32 @!p1 $0x1082;
	[sflag:s4] =	ssyncset.s32 $0xFFFFF086  }
0x25: {  	[simem:s6], [sflag:s4] =	dma.local [hbm:s3], $0xF7A  }
0x26: {  	[smem:$0x3F9E] =	sst s1;
	(tag) =	ssettag s2;
	_ =	strace s9  }
0x27: {  	s1 =	sld [smem:$0x3FAE]  }
0x28: {  	s2 =	sld [smem:$0x3FAF]  }
0x29: {  	s4 =	sld [smem:$0x3FB1]  }
0x2a: {  	p0 =	seq.s32 s5, $0x0;
	s5 =	sld [smem:$0x3FB2]  }
0x2b: {  	s6 =	sld [smem:$0x3FB3]  }
0x2c: {  	s7 =	sld [smem:$0x3FB4]  }
0x2d: {  	s3 =	simm.s32 $0x108;
	s8 =	sld [smem:$0x3FB5]  }
0x2e: {  	s3 =	simm.s32 @!p0 $0x1082;
	s9 =	sld [smem:$0x3FB6]  }
0x2f: {  	lr =	sadd.s32 s0, s3;
	s0 =	sld [smem:$0x3FAD]  }
0x30: {  	s3 =	sld [smem:$0x3FB0]  }
0x31: {  	[smem:$0x3FB9] =	sst s10  }
0x32: {  	s10 =	sld [smem:$0x3FB7];
	_ =	sdelay $0x3  }
0x33: {  	p0 =	seq.s32 s10, $0x1;
	s10 =	sld [smem:$0x3FB9];
	_ =	sdelay $0x3  }
0x34: {  	[smem:$0x3FB9] =	sst s10  }
0x35: {  	s10 =	sld [smem:$0x3FB8];
	_ =	sdelay $0x3  }
0x36: {  	p1 =	seq.s32 s10, $0x1;
	s10 =	sld [smem:$0x3FB9];
	_ =	sdelay $0x3  }
0x37: {  	[smem:$0x3FB9] =	sst s10  }
0x38: {  	s10 =	sld [smem:$0x3FBA]  }
0x39: {  	_ = 	snop;
	(pc) =	sbr.ind lr, $3  }
0x3a: {  	_ = 	snop  }
0x3b: {  	_ = 	snop  }
0x3c: {  	p2 =	seq.s32 s10, $0x1;
	s10 =	sld [smem:$0x3FB9]  }
0x3d: {  	_ =	shalt  }
0x3e: {  	_ =	shalt  }
0x3f: {  	_ =	shalt  }
0x40: {  	_ =	shalt  }
0x41: {  	_ =	shalt  }
0x42: {  	_ =	shalt  }
0x43: {  	_ =	shalt  }
0x44: {  	_ =	shalt  }
0x45: {  	_ =	shalt  }
0x46: {  	_ =	shalt  }
0x47: {  	_ =	shalt  }
0x48: {  	_ =	shalt  }
0x49: {  	_ =	shalt  }
0x4a: {  	_ =	shalt  }
0x4b: {  	_ =	shalt  }
0x4c: {  	_ =	shalt  }
0x4d: {  	_ =	shalt  }
0x4e: {  	_ =	shalt  }
0x4f: {  	_ =	shalt  }
0x50: {  	_ =	shalt  }
0x51: {  	_ =	shalt  }
0x52: {  	_ =	shalt  }
0x53: {  	_ =	shalt  }
0x54: {  	_ =	shalt  }
0x55: {  	_ =	shalt  }
0x56: {  	_ =	shalt  }
0x57: {  	_ =	shalt  }
0x58: {  	_ =	shalt  }
0x59: {  	_ =	shalt  }
0x5a: {  	_ =	shalt  }
0x5b: {  	_ =	shalt  }
0x5c: {  	_ =	shalt  }
0x5d: {  	_ =	shalt  }
0x5e: {  	_ =	shalt  }
0x5f: {  	_ =	shalt  }
0x60: {  	_ =	shalt  }
0x61: {  	_ =	shalt  }
0x62: {  	_ =	shalt  }
0x63: {  	_ =	shalt  }
0x64: {  	_ =	shalt  }
0x65: {  	_ =	shalt  }
0x66: {  	_ =	shalt  }
0x67: {  	_ =	shalt  }
0x68: {  	_ =	shalt  }
0x69: {  	_ =	shalt  }
0x6a: {  	_ =	shalt  }
0x6b: {  	_ =	shalt  }
0x6c: {  	_ =	shalt  }
0x6d: {  	_ =	shalt  }
0x6e: {  	_ =	shalt  }
0x6f: {  	_ =	shalt  }
0x70: {  	_ =	shalt  }
0x71: {  	_ =	shalt  }
0x72: {  	_ =	shalt  }
0x73: {  	_ =	shalt  }
0x74: {  	_ =	shalt  }
0x75: {  	_ =	shalt  }
0x76: {  	_ =	shalt  }
0x77: {  	_ =	shalt  }
0x78: {  	_ =	shalt  }
0x79: {  	_ =	shalt  }
0x7a: {  	_ =	shalt  }
0x7b: {  	_ =	shalt  }
0x7c: {  	_ =	shalt  }
0x7d: {  	_ =	shalt  }
0x7e: {  	_ =	shalt  }
0x7f: {  	_ =	shalt  }
0x80: {  	_ =	shalt  }
0x81: {  	_ =	shalt  }
0x82: {  	_ =	shalt  }
0x83: {  	_ =	shalt  }
0x84: {  	_ =	shalt  }
0x85: {  	_ =	shalt  }
0x86: {  	_ =	shalt  }
0x87: {  	_ =	shalt  }
.Lfunc_end0:
.L_simem_size_0:
called_computation_lowered:
.L_overlay_start_0:
0x88: {  	s2 =	sld [smem:$0x3FD9]  }
0x89: {  	s3 =	sld [smem:$0x3FFE];
	_ =	sdelay $0x1  }
0x8a: {  	s1 =	srdreg.scid  }
0x8b: {  	s0 =	sand.u32 $0x1, s1  }
0x8c: {  	s18 =	sshll.u32 s0, $0xA;
	s2 =	sadd.s32 s3, s2  }
0x8d: {  	s2 =	sadd.s32 s2, s18  }
0x8e: {  	[smem:$0x3FC5] =	sst s2  }
0x8f: {  	_ = 	snop  }
0x90: {  	s2 =	sld [smem:$0x3FC9]  }
0x91: {  	s19 =	sld [smem:$0x3FC8]  }
0x92: {  	s4 =	sld [smem:$0x3FC7]  }
0x93: {  	s5 =	sld [smem:$0x3FD0];
	(tm) =	ssettm $0x1  }
0x94: {  	s6 =	sld [smem:$0x3FFB];
	_ =	sdelay $0x3  }
0x95: {  	_ =	strace s6  }
0x96: {  	s6 =	sld [smem:$0x3FFC];
	_ =	sdelay $0x3  }
0x97: {  	_ =	strace s6  }
0x98: {  	s6 =	sld [smem:$0x3FFD];
	_ =	sdelay $0x3  }
0x99: {  	_ =	strace s6  }
0x9a: {  	_ =	strace $0x8FFFFFFF  }
0x9b: {  	s20 =	sld [smem:$0x3FDB];
	_ =	sdelay $0x1  }
0x9c: {  	s7 =	simm.s32 $_scs_section_size  }
0x9d: {  	s8 =	simm.s32 $_size__tile_overlayer_lowered;
	s9 =	simm.s32 $_tile_overlayer_lowered  }
0x9e: {  	s23 =	simm.s32 $0x1BFF;
	s22 =	sshll.u32 s9, $0x1;
	s6 =	sadd.s32 s7, s20  }
0x9f: {  	s10 =	simm.s32 $0x0;
	s21 =	sshll.u32 s8, $0x1;
	s8 =	sadd.s32 s22, s6  }
0xa0: {  	[timem:s10], [sflag:s23] =	dma.local [hbm:s8], s21  }
0xa1: {  	_ =	swait.ge [sflag:s23], s21  }
0xa2: {  	s7 =	ssub.s32 $0x0, s21;
	[sflag:s23] =	ssyncset.done $0x0  }
0xa3: {  	[sflag:s23] =	ssyncadd.s32 s7;
	_ =	sdelay $0x1  }
0xa4: {  	s24 =	simm.s32 $0x1B8B  }
0xa5: {  	_ =	swait.ge [sflag:s24], $0x1  }
0xa6: {  	[sflag:s24] =	ssyncset.done $0x0  }
0xa7: {  	s25 =	simm.s32 $0x1B8E;
	[sflag:s24] =	ssyncadd.s32 $0xFFFFFFFF  }
0xa8: {  	s26 =	simm.s32 $execute0_lowered;
	[smem:$0x3FD2] =	sst s25  }
0xa9: {  	s7 =	sshll.u32 s26, $0x1;
	_ =	strace $0x80000046;
	[dreg:$0x1] =	wrdreg $0xFFFFFFFF  }
0xaa: {  	s28 =	simm.s32 $_size_execute0_lowered;
	s6 =	sadd.s32 s6, s7;
	[dreg:$0x0] =	wrdreg $0x0  }
0xab: {  	s7 =	sshll.u32 s28, $0x1;
	[dreg:$0x2] =	wrdreg s6  }
0xac: {  	[dreg:$0x3] =	wrdreg s7  }
0xad: {  	[dreg:$0x4] =	wrdreg $0xC0  }
0xae: {  	_ =	task [dreg:s10], $0x5FFFF  }
0xaf: {  	[dreg:$0x1] =	wrdreg $0xFFFFFFFF  }
0xb0: {  	[dreg:$0x0] =	wrdreg $0x60  }
0xb1: {  	[dreg:$0x2] =	wrdreg s2  }
0xb2: {  	[dreg:$0x3] =	wrdreg s19  }
0xb3: {  	[dreg:$0x4] =	wrdreg s4  }
0xb4: {  	[dreg:$0x5] =	wrdreg s5  }
0xb5: {  	[dreg:$0x6] =	wrdreg $0x9  }
0xb6: {  	_ =	task.clear_ibuf [dreg:s10], $0x7FFFF;
	_ =	strace $0x90000046  }
0xb7: {  	s29 =	simm.s32 $0x9;
	_ =	strace $0x80000048  }
0xb8: {  	_ =	swait.ge [sflag:s29], $0x1  }
0xb9: {  	[sflag:s29] =	ssyncadd.s32 $0xFFFFFFFF  }
0xba: {  	_ =	strace $0x90000048  }
0xbb: {  	_ =	sfence  }
0xbc: {  	s30 =	sld [smem:$0x0];
	_ =	sdelay $0x2  }
0xbd: {  	s31 =	sshll.u32 s1, $0xD;
	s1 =	sshrl.u32 s1, $0x2  }
0xbe: {  	s3 =	sand.u32 $0x4000, s31;
	s1 =	sadd.s32 s1, s30  }
0xbf: {  	s0 =	sor.u32 s3, s0;
	s1 =	sshll.u32 s1, $0x11  }
0xc0: {  	s0 =	sor.u32 s1, s0  }
0xc1: {  	s0 =	sadd.s32 $0x8F2B, s0  }
0xc2: {  	[sflag:s0] =	ssyncadd.remote.s32 $0x1  }
0xc3: {  	_ =	sfence.sel $0xFFFF  }
0xc4: {  	[dreg:$0x0] =	wrdreg $0xFFFFFFFF;
	(pc) =	sbr.abs _section_cstart, $3  }
0xc5: {  	[dreg:$0x1] =	wrdreg $0xFFFFFFFF  }
0xc6: {  	_ =	task.clear_ibuf [dreg:s10], $0x2FFFF;
	_ =	strace $0x9FFFFFFF  }
0xc7: {  	(tm) =	ssettm $0x7FFFFFFF  }
tec
execute0_lowered:
.L_overlay_start_1:
0x0: {  	(tag) =	ssettag $0x1  }
0x1: {  	s8 =	rddreg [dreg:$0x0]  }
0x2: {  	s1 =	rddreg [dreg:$0x1];
	s2 =	srdreg.scid  }
0x3: {  	s4 =	rddreg [dreg:$0x2];
	s0 =	stileid.u32  }
0x4: {  	s9 =	rddreg [dreg:$0x3];
	s14 =	simm.s32 $0x8200;
	s15 =	simm.s32 $0x80  }
0x5: {  	s16 =	simm.s32 $0x100;
	s17 =	simm.s32 $0x180;
	s18 =	simm.s32 $0x4  }
0x6: {  	s19 =	simm.s32 $0x40;
	s20 =	simm.s32 $0x200;
	s21 =	simm.s32 $0x2200  }
0x7: {  	s22 =	simm.s32 $0x4200;
	s23 =	simm.s32 $0x6200;
	s24 =	simm.s32 $0x2  }
0x8: {  	s28 =	simm.s32 $0x0;
	s5 =	sand.u32 $0x1, s2;
	s3 =	sshll.u32 s0, $0x7  }
0x9: {  	s2 =	rddreg [dreg:$0x4];
	s6 =	sshll.u32 s5, $0x6;
	s5 =	ssub.s32 $0x2, s5  }
0xa: {  	s7 =	sor.u32 s6, s3;
	s3 =	simm.s32 $0x0;
	s11 =	sshrl.u32 s5, $0x1  }
0xb: {  	s10 =	sshll.u32 s7, $0x2;
	[smem:$0x7FF] =	sst s3;
	s13 =	ssub.s32 s5, s11  }
0xc: {  	s26 =	sshll.u32 s7, $0x4;
	s12 =	sand.u32 $0x1E00, s10;
	_ =	strace $0x80000047  }
0xd: {  	s4 =	sadd.s32 s4, s26;
	s9 =	sadd.s32 s9, s26;
	s13 =	smax.u32 s13, $0x1  }
0xe: {  	s26 =	simm.s32 $0x3;
	s25 =	sor.u32 s6, s12;
	s6 =	sor.u32 s6, s10  }
0xf: {  	s10 =	sadd.s32 $0x8000, s9;
	s11 =	sadd.s32 $0x10000, s9;
	s12 =	sadd.s32 $0x18000, s9  }
0x10: {  	s5 =	sshrl.u32 s25, $0x3;
	s29 =	sshrl.u32 s6, $0x3;
	s25 =	simm.s32 $0x1  }
0x11: {  	s5 =	sadd.s32 s8, s5;
	s30 =	sor.u32 $0x20, s29;
	s31 =	sor.u32 $0x30, s29  }
0x12: {  	s6 =	sadd.s32 $0x10, s5;
	s7 =	sadd.s32 s8, s30;
	s8 =	sadd.s32 s8, s31  }
.LBB2_1:
0x13: {  	[tilespmem:s14], [sflag:$0x2] =	stream.linear.gather [hbm4b:s4+s3], $0x2000, $0x38;
	[tilespmem:$0xA200] =	vst v63  }
0x14: {  	_ = 	snop  }
0x15: {  	[tilespmem:s3], [sflag:$0x4] =	stream.linear.gather [hbm4b:s5+s3], $0x40, $0x38;
	[tilespmem:$0xA200] =	vst v63  }
0x16: {  	_ = 	snop  }
0x17: {  	[tilespmem:s15], [sflag:$0x4] =	stream.linear.gather [hbm4b:s6+s3], $0x40, $0x38;
	[tilespmem:$0xA200] =	vst v63  }
0x18: {  	_ = 	snop  }
0x19: {  	[tilespmem:s16], [sflag:$0x4] =	stream.linear.gather [hbm4b:s7+s3], $0x40, $0x38;
	[tilespmem:$0xA200] =	vst v63  }
0x1a: {  	_ = 	snop  }
0x1b: {  	[tilespmem:s17], [sflag:$0x4] =	stream.linear.gather [hbm4b:s8+s3], $0x40, $0x38;
	[tilespmem:$0xA200] =	vst v63  }
0x1c: {  	_ =	swait.ge [sflag:s18], $0x40  }
0x1d: {  	[sflag:s18] =	ssyncset.done $0x0  }
0x1e: {  	[sflag:s18] =	ssyncadd.s32 $0xFFFFFFC0  }
0x1f: {  	[tilespmem:s20], [sflag:$0x1] =	stream.indirect.gather [hbm4b:s1+s19], $0x80, s3, s19, $0xb8;
	[tilespmem:$0xA200] =	vst v63  }
0x20: {  	_ =	swait.ge [sflag:s18], $0x40  }
0x21: {  	[sflag:s18] =	ssyncset.done $0x0  }
0x22: {  	[sflag:s18] =	ssyncadd.s32 $0xFFFFFFC0  }
0x23: {  	[tilespmem:s21], [sflag:$0x1] =	stream.indirect.gather [hbm4b:s1+s19], $0x80, s15, s19, $0xb8;
	[tilespmem:$0xA200] =	vst v63  }
0x24: {  	_ =	swait.ge [sflag:s18], $0x40  }
0x25: {  	[sflag:s18] =	ssyncset.done $0x0  }
0x26: {  	[sflag:s18] =	ssyncadd.s32 $0xFFFFFFC0  }
0x27: {  	[tilespmem:s22], [sflag:$0x1] =	stream.indirect.gather [hbm4b:s1+s19], $0x80, s16, s19, $0xb8;
	[tilespmem:$0xA200] =	vst v63  }
0x28: {  	_ =	swait.ge [sflag:s18], $0x40  }
0x29: {  	[sflag:s18] =	ssyncset.done $0x0  }
0x2a: {  	[sflag:s18] =	ssyncadd.s32 $0xFFFFFFC0  }
0x2b: {  	[tilespmem:s23], [sflag:$0x1] =	stream.indirect.gather [hbm4b:s1+s19], $0x80, s17, s19, $0xb8;
	[tilespmem:$0xA200] =	vst v63  }
0x2c: {  	_ =	swait.ge [sflag:s24], $0x2000  }
0x2d: {  	[sflag:s24] =	ssyncset.done $0x0  }
0x2e: {  	[sflag:s24] =	ssyncadd.s32 $0xFFFFE000  }
0x2f: {  	_ =	swait.ge [sflag:s25], $0x2000  }
0x30: {  	[sflag:s25] =	ssyncset.done $0x0  }
0x31: {  	s29 =	simm.s32 $0x0;
	s30 =	simm.s32 $0x200;
	[sflag:s25] =	ssyncadd.s32 $0xFFFFE000  }
.LBB2_2:
0x32: {  	p0 =	sne.s32 s30, $0x7E00;
	v0 =	vld [tilespmem:s29+$0x8270]  }
0x33: {  	v1 =	vld [tilespmem:s29+$0x8200]  }
0x34: {  	v2 =	vld [tilespmem:s29+$0x8210]  }
0x35: {  	v3 =	vld [tilespmem:s29+$0x8220]  }
0x36: {  	v4 =	vld [tilespmem:s29+$0x8230]  }
0x37: {  	[tilespmem:s29+$0x270] =	vst.add.f32.msk $0xffff, v0  }
0x38: {  	v0 =	vld [tilespmem:s29+$0x8240]  }
0x39: {  	v5 =	vld [tilespmem:s29+$0x8250]  }
0x3a: {  	v6 =	vld [tilespmem:s29+$0x8260]  }
0x3b: {  	[tilespmem:s29+$0x200] =	vst.add.f32.msk $0xffff, v1  }
0x3c: {  	[tilespmem:s29+$0x210] =	vst.add.f32.msk $0xffff, v2  }
.Ltmp0:
0x3d: {  	[tilespmem:s29+$0x220] =	vst.add.f32.msk $0xffff, v3;
	(pc) =	sbr.rel @p0 .LBB2_2-.Ltmp0, $4  }
0x3e: {  	[tilespmem:s29+$0x230] =	vst.add.f32.msk $0xffff, v4  }
0x3f: {  	[tilespmem:s29+$0x240] =	vst.add.f32.msk $0xffff, v0  }
0x40: {  	[tilespmem:s29+$0x250] =	vst.add.f32.msk $0xffff, v5  }
0x41: {  	[tilespmem:s29+$0x260] =	vst.add.f32.msk $0xffff, v6;
	s29 =	sshra.s32 s30, $0x2;
	s30 =	sadd.s32 $0x200, s30  }
0x42: {  	v0 =	vld [tilespmem:s29+$0x8270]  }
0x43: {  	v1 =	vld [tilespmem:s29+$0x8200]  }
0x44: {  	v2 =	vld [tilespmem:s29+$0x8210]  }
0x45: {  	v3 =	vld [tilespmem:s29+$0x8220]  }
0x46: {  	v4 =	vld [tilespmem:s29+$0x8230]  }
0x47: {  	v63 =	vld [tilespmem:s29+$0x8240]  }
0x48: {  	v5 =	vld [tilespmem:s29+$0x8250]  }
0x49: {  	v6 =	vld [tilespmem:s29+$0x8260]  }
0x4a: {  	[tilespmem:s29+$0x270] =	vst.add.f32.msk $0xffff, v0  }
0x4b: {  	[tilespmem:s29+$0x200] =	vst.add.f32.msk $0xffff, v1  }
0x4c: {  	[tilespmem:s29+$0x210] =	vst.add.f32.msk $0xffff, v2  }
0x4d: {  	[tilespmem:s29+$0x220] =	vst.add.f32.msk $0xffff, v3  }
0x4e: {  	[tilespmem:s29+$0x230] =	vst.add.f32.msk $0xffff, v4  }
0x4f: {  	[tilespmem:s29+$0x240] =	vst.add.f32.msk $0xffff, v63  }
0x50: {  	[tilespmem:s29+$0x250] =	vst.add.f32.msk $0xffff, v5  }
0x51: {  	[tilespmem:s29+$0x260] =	vst.add.f32.msk $0xffff, v6;
	s29 =	simm.s32 $0x0  }
0x52: {  	[hbm4b:s9+s29] =	stream.linear.scatter [tilespmem:s20], [sflag:$0x3], $0x2000, $0x38;
	[tilespmem:$0xA200] =	vst v63  }
0x53: {  	_ =	swait.ge [sflag:s25], $0x2000  }
0x54: {  	[sflag:s25] =	ssyncset.done $0x0  }
0x55: {  	s30 =	simm.s32 $0x200;
	s29 =	simm.s32 $0x0;
	[sflag:s25] =	ssyncadd.s32 $0xFFFFE000  }
.LBB2_4:
0x56: {  	p0 =	sne.s32 s30, $0x7E00;
	v0 =	vld [tilespmem:s29+$0x8270]  }
0x57: {  	v1 =	vld [tilespmem:s29+$0x8200]  }
0x58: {  	v2 =	vld [tilespmem:s29+$0x8210]  }
0x59: {  	v3 =	vld [tilespmem:s29+$0x8220]  }
0x5a: {  	v4 =	vld [tilespmem:s29+$0x8230]  }
0x5b: {  	[tilespmem:s29+$0x2270] =	vst.add.f32.msk $0xffff, v0  }
0x5c: {  	v0 =	vld [tilespmem:s29+$0x8240]  }
0x5d: {  	v5 =	vld [tilespmem:s29+$0x8250]  }
0x5e: {  	v6 =	vld [tilespmem:s29+$0x8260]  }
0x5f: {  	[tilespmem:s29+$0x2200] =	vst.add.f32.msk $0xffff, v1  }
0x60: {  	[tilespmem:s29+$0x2210] =	vst.add.f32.msk $0xffff, v2  }
.Ltmp1:
0x61: {  	[tilespmem:s29+$0x2220] =	vst.add.f32.msk $0xffff, v3;
	(pc) =	sbr.rel @p0 .LBB2_4-.Ltmp1, $4  }
0x62: {  	[tilespmem:s29+$0x2230] =	vst.add.f32.msk $0xffff, v4  }
0x63: {  	[tilespmem:s29+$0x2240] =	vst.add.f32.msk $0xffff, v0  }
0x64: {  	[tilespmem:s29+$0x2250] =	vst.add.f32.msk $0xffff, v5  }
0x65: {  	[tilespmem:s29+$0x2260] =	vst.add.f32.msk $0xffff, v6;
	s29 =	sshra.s32 s30, $0x2;
	s30 =	sadd.s32 $0x200, s30  }
0x66: {  	v0 =	vld [tilespmem:s29+$0x8270]  }
0x67: {  	v1 =	vld [tilespmem:s29+$0x8200]  }
0x68: {  	v2 =	vld [tilespmem:s29+$0x8210]  }
0x69: {  	v3 =	vld [tilespmem:s29+$0x8220]  }
0x6a: {  	v4 =	vld [tilespmem:s29+$0x8230]  }
0x6b: {  	v63 =	vld [tilespmem:s29+$0x8240]  }
0x6c: {  	v5 =	vld [tilespmem:s29+$0x8250]  }
0x6d: {  	v6 =	vld [tilespmem:s29+$0x8260]  }
0x6e: {  	[tilespmem:s29+$0x2270] =	vst.add.f32.msk $0xffff, v0  }
0x6f: {  	[tilespmem:s29+$0x2200] =	vst.add.f32.msk $0xffff, v1  }
0x70: {  	[tilespmem:s29+$0x2210] =	vst.add.f32.msk $0xffff, v2  }
0x71: {  	[tilespmem:s29+$0x2220] =	vst.add.f32.msk $0xffff, v3  }
0x72: {  	[tilespmem:s29+$0x2230] =	vst.add.f32.msk $0xffff, v4  }
0x73: {  	[tilespmem:s29+$0x2240] =	vst.add.f32.msk $0xffff, v63  }
0x74: {  	[tilespmem:s29+$0x2250] =	vst.add.f32.msk $0xffff, v5  }
0x75: {  	[tilespmem:s29+$0x2260] =	vst.add.f32.msk $0xffff, v6;
	s29 =	simm.s32 $0x0  }
0x76: {  	[hbm4b:s10+s29] =	stream.linear.scatter [tilespmem:s21], [sflag:$0x3], $0x2000, $0x38;
	[tilespmem:$0xA200] =	vst v63  }
0x77: {  	_ =	swait.ge [sflag:s25], $0x2000  }
0x78: {  	[sflag:s25] =	ssyncset.done $0x0  }
0x79: {  	s30 =	simm.s32 $0x200;
	s29 =	simm.s32 $0x0;
	[sflag:s25] =	ssyncadd.s32 $0xFFFFE000  }
.LBB2_6:
0x7a: {  	p0 =	sne.s32 s30, $0x7E00;
	v0 =	vld [tilespmem:s29+$0x8270]  }
0x7b: {  	v1 =	vld [tilespmem:s29+$0x8200]  }
0x7c: {  	v2 =	vld [tilespmem:s29+$0x8210]  }
0x7d: {  	v3 =	vld [tilespmem:s29+$0x8220]  }
0x7e: {  	v4 =	vld [tilespmem:s29+$0x8230]  }
0x7f: {  	[tilespmem:s29+$0x4270] =	vst.add.f32.msk $0xffff, v0  }
0x80: {  	v0 =	vld [tilespmem:s29+$0x8240]  }
0x81: {  	v5 =	vld [tilespmem:s29+$0x8250]  }
0x82: {  	v6 =	vld [tilespmem:s29+$0x8260]  }
0x83: {  	[tilespmem:s29+$0x4200] =	vst.add.f32.msk $0xffff, v1  }
0x84: {  	[tilespmem:s29+$0x4210] =	vst.add.f32.msk $0xffff, v2  }
.Ltmp2:
0x85: {  	[tilespmem:s29+$0x4220] =	vst.add.f32.msk $0xffff, v3;
	(pc) =	sbr.rel @p0 .LBB2_6-.Ltmp2, $4  }
0x86: {  	[tilespmem:s29+$0x4230] =	vst.add.f32.msk $0xffff, v4  }
0x87: {  	[tilespmem:s29+$0x4240] =	vst.add.f32.msk $0xffff, v0  }
0x88: {  	[tilespmem:s29+$0x4250] =	vst.add.f32.msk $0xffff, v5  }
0x89: {  	[tilespmem:s29+$0x4260] =	vst.add.f32.msk $0xffff, v6;
	s29 =	sshra.s32 s30, $0x2;
	s30 =	sadd.s32 $0x200, s30  }
0x8a: {  	v0 =	vld [tilespmem:s29+$0x8270]  }
0x8b: {  	v1 =	vld [tilespmem:s29+$0x8200]  }
0x8c: {  	v2 =	vld [tilespmem:s29+$0x8210]  }
0x8d: {  	v3 =	vld [tilespmem:s29+$0x8220]  }
0x8e: {  	v4 =	vld [tilespmem:s29+$0x8230]  }
0x8f: {  	v63 =	vld [tilespmem:s29+$0x8240]  }
0x90: {  	v5 =	vld [tilespmem:s29+$0x8250]  }
0x91: {  	v6 =	vld [tilespmem:s29+$0x8260]  }
0x92: {  	[tilespmem:s29+$0x4270] =	vst.add.f32.msk $0xffff, v0  }
0x93: {  	[tilespmem:s29+$0x4200] =	vst.add.f32.msk $0xffff, v1  }
0x94: {  	[tilespmem:s29+$0x4210] =	vst.add.f32.msk $0xffff, v2  }
0x95: {  	[tilespmem:s29+$0x4220] =	vst.add.f32.msk $0xffff, v3  }
0x96: {  	[tilespmem:s29+$0x4230] =	vst.add.f32.msk $0xffff, v4  }
0x97: {  	[tilespmem:s29+$0x4240] =	vst.add.f32.msk $0xffff, v63  }
0x98: {  	[tilespmem:s29+$0x4250] =	vst.add.f32.msk $0xffff, v5  }
0x99: {  	[tilespmem:s29+$0x4260] =	vst.add.f32.msk $0xffff, v6;
	s29 =	simm.s32 $0x0  }
0x9a: {  	[hbm4b:s11+s29] =	stream.linear.scatter [tilespmem:s22], [sflag:$0x3], $0x2000, $0x38;
	[tilespmem:$0xA200] =	vst v63  }
0x9b: {  	_ =	swait.ge [sflag:s25], $0x2000  }
0x9c: {  	[sflag:s25] =	ssyncset.done $0x0  }
0x9d: {  	s30 =	simm.s32 $0x200;
	s29 =	simm.s32 $0x0;
	[sflag:s25] =	ssyncadd.s32 $0xFFFFE000  }
.LBB2_8:
0x9e: {  	p0 =	sne.s32 s30, $0x7E00;
	v0 =	vld [tilespmem:s29+$0x8270]  }
0x9f: {  	v1 =	vld [tilespmem:s29+$0x8200]  }
0xa0: {  	v2 =	vld [tilespmem:s29+$0x8210]  }
0xa1: {  	v3 =	vld [tilespmem:s29+$0x8220]  }
0xa2: {  	v4 =	vld [tilespmem:s29+$0x8230]  }
0xa3: {  	[tilespmem:s29+$0x6270] =	vst.add.f32.msk $0xffff, v0  }
0xa4: {  	v0 =	vld [tilespmem:s29+$0x8240]  }
0xa5: {  	v5 =	vld [tilespmem:s29+$0x8250]  }
0xa6: {  	v6 =	vld [tilespmem:s29+$0x8260]  }
0xa7: {  	[tilespmem:s29+$0x6200] =	vst.add.f32.msk $0xffff, v1  }
0xa8: {  	[tilespmem:s29+$0x6210] =	vst.add.f32.msk $0xffff, v2  }
.Ltmp3:
0xa9: {  	[tilespmem:s29+$0x6220] =	vst.add.f32.msk $0xffff, v3;
	(pc) =	sbr.rel @p0 .LBB2_8-.Ltmp3, $4  }
0xaa: {  	[tilespmem:s29+$0x6230] =	vst.add.f32.msk $0xffff, v4  }
0xab: {  	[tilespmem:s29+$0x6240] =	vst.add.f32.msk $0xffff, v0  }
0xac: {  	[tilespmem:s29+$0x6250] =	vst.add.f32.msk $0xffff, v5  }
0xad: {  	[tilespmem:s29+$0x6260] =	vst.add.f32.msk $0xffff, v6;
	s29 =	sshra.s32 s30, $0x2;
	s30 =	sadd.s32 $0x200, s30  }
0xae: {  	v0 =	vld [tilespmem:s29+$0x8270]  }
0xaf: {  	v1 =	vld [tilespmem:s29+$0x8200]  }
0xb0: {  	v2 =	vld [tilespmem:s29+$0x8210]  }
0xb1: {  	v3 =	vld [tilespmem:s29+$0x8220]  }
0xb2: {  	v4 =	vld [tilespmem:s29+$0x8230]  }
0xb3: {  	v63 =	vld [tilespmem:s29+$0x8240]  }
0xb4: {  	v5 =	vld [tilespmem:s29+$0x8250]  }
0xb5: {  	v6 =	vld [tilespmem:s29+$0x8260]  }
0xb6: {  	[tilespmem:s29+$0x6270] =	vst.add.f32.msk $0xffff, v0  }
0xb7: {  	[tilespmem:s29+$0x6200] =	vst.add.f32.msk $0xffff, v1  }
0xb8: {  	[tilespmem:s29+$0x6210] =	vst.add.f32.msk $0xffff, v2  }
0xb9: {  	[tilespmem:s29+$0x6220] =	vst.add.f32.msk $0xffff, v3  }
0xba: {  	[tilespmem:s29+$0x6230] =	vst.add.f32.msk $0xffff, v4  }
0xbb: {  	[tilespmem:s29+$0x6240] =	vst.add.f32.msk $0xffff, v63  }
0xbc: {  	[tilespmem:s29+$0x6250] =	vst.add.f32.msk $0xffff, v5  }
0xbd: {  	[tilespmem:s29+$0x6260] =	vst.add.f32.msk $0xffff, v6  }
0xbe: {  	[hbm4b:s12+s3] =	stream.linear.scatter [tilespmem:s23], [sflag:$0x3], $0x2000, $0x38;
	[tilespmem:$0xA200] =	vst v63  }
0xbf: {  	_ =	swait.ge [sflag:s26], $0x2000  }
0xc0: {  	[sflag:s26] =	ssyncset.done $0x0  }
0xc1: {  	[sflag:s26] =	ssyncadd.s32 $0xFFFFE000  }
0xc2: {  	_ =	swait.ge [sflag:s26], $0x2000  }
0xc3: {  	[sflag:s26] =	ssyncset.done $0x0  }
0xc4: {  	s28 =	sadd.s32 $0x1, s28;
	[sflag:s26] =	ssyncadd.s32 $0xFFFFE000  }
0xc5: {  	p0 =	sne.s32 s28, s13;
	_ =	swait.ge [sflag:s26], $0x2000  }
.Ltmp4:
0xc6: {  	[sflag:s26] =	ssyncset.done $0x0;
	(pc) =	sbr.rel @p0 .LBB2_1-.Ltmp4, $4  }
0xc7: {  	[sflag:s26] =	ssyncadd.s32 $0xFFFFE000  }
0xc8: {  	_ =	swait.ge [sflag:s26], $0x2000  }
0xc9: {  	[sflag:s26] =	ssyncset.done $0x0  }
0xca: {  	[sflag:s26] =	ssyncadd.s32 $0xFFFFE000  }
0xcb: {  	_ =	sfence.sel $0x180000  }
0xcc: {  	[bflag:$0x0] =	sbarrier.arrive $0xFFFF  }
0xcd: {  	p0 =	sne.s32 s0, $0x0;
	_ =	strace $0x90000047  }
0xce: {  	s0 =	sadd.s32 @!p0 $0x100000, s2;
	[bflag:$0x2] =	sbarrier.arrive $0xFFFF  }
0xcf: {  	[sflag:s0] =	ssyncadd.tile.s32 @!p0 $0x1;
	_ =	shalt  }
.Lfunc_end2:
_tile_overlayer_lowered:
.L_overlay_start_2:
0xd0: {  	(tag) =	ssettag $0x2  }
0xd1: {  	s0 =	rddreg [dreg:$0x0];
	s2 =	stileid.u32  }
0xd2: {  	s1 =	rddreg [dreg:$0x1];
	p0 =	sne.s32 s2, $0x0  }
0xd3: {  	s3 =	rddreg [dreg:$0x2];
	[bflag:$0x3] =	sbarrier.arrive $0xFFFF;
	s2 =	simm.s32 @!p0 $0x1C05  }
0xd4: {  	[timem:s3], [sflag:s2] =	dma.local @!p0 [hbm:s0], s1  }
0xd5: {  	s0 =	simm.s32 @!p0 $0x5  }
0xd6: {  	_ =	swait.ge @!p0 [sflag:s0], s1  }
0xd7: {  	s1 =	ssub.s32 @!p0 $0x0, s1;
	[sflag:s0] =	ssyncset.done @!p0 $0x0  }
0xd8: {  	[sflag:s0] =	ssyncadd.s32 @!p0 s1  }
0xd9: {  	[bflag:$0x3] =	sbarrier.arrive $0xFFFF  }
0xda: {  	_ =	shalt  }

</sc_bundles>
